<compile_context>
chip_gen: v7x
topology: tpu7x:2x2x1
jax: 0.10.2.dev20260603
libtpu: 0.0.44.dev20260713+nightly
codegen_flags: <defaults>
</compile_context>

<pallas_src>
import math

import jax
import jax.numpy as jnp
from jax import lax
from jax.experimental import pallas as pl
from jax.experimental.pallas import tpu as pltpu
from jax.experimental.pallas import tpu_sc as plsc

N = 50000
TOTAL = 32768
NPATHS = 8192
T = 64
F = 33
FP = 48
BN = 1024
NPAD = 50176
BP = 512
CHK = 128
NW = 32
PPW = NPATHS // NW
HI = jax.lax.Precision.HIGHEST
LO = jax.lax.Precision.DEFAULT



def _softplus(x):
    return jnp.maximum(x, 0.0) + jnp.log1p(jnp.exp(-jnp.abs(x)))


def _stage_a1(p_ref, m_ref, tab_ref):
    p = p_ref[:, :]
    a = _softplus(p[:, 0:1]) + 0.5
    b = _softplus(p[:, 1:2]) + 0.1
    ti = lax.broadcasted_iota(jnp.int32, (1, T), 1).astype(jnp.float32)
    t = ti + 1.0
    u = jnp.exp(a * jnp.log(t) - b * t)
    inv = 1.0 / (jnp.sum(u, axis=-1, keepdims=True) + 1e-12)
    tab_ref[:, :] = jnp.dot(u, m_ref[:, :], precision=LO) * inv


def _stage_a2(p_ref, diag_ref):
    p = p_ref[:, :]
    a = _softplus(p[0:1, :]) + 0.5
    b = _softplus(p[1:2, :]) + 0.1
    ti = lax.broadcasted_iota(jnp.int32, (T, 1), 0).astype(jnp.float32)
    tf = jnp.float32(T) - ti
    uf = jnp.exp(a * jnp.log(tf) - b * tf)
    s = jnp.sum(uf, axis=0, keepdims=True)
    diag_ref[:, :] = uf * (1.0 / (s * (1.0 + 1e-8) + 1e-20))



def _stage_b(tab_hbm, nodes_hbm, cs_hbm, cs1_hbm,
             osum_hbm, src_hbm, dst_hbm,
             nodes_v, cs_v, cs1_v, gbuf0_v, gbuf1_v, acc_v, bval_v,
             sem, sem0, sem1):
    wid = lax.axis_index("s") * 2 + lax.axis_index("c")
    p0 = pl.multiple_of(wid * PPW, PPW)
    pltpu.sync_copy(nodes_hbm, nodes_v)
    pltpu.sync_copy(cs_hbm.at[pl.ds(p0, PPW + 16)], cs_v)
    pltpu.sync_copy(cs1_hbm.at[pl.ds(p0, PPW + 16)], cs1_v)

    for k in range(PPW // 16):
        c0 = cs_v[pl.ds(k * 16, 16)]
        c1 = cs1_v[pl.ds(k * 16, 16)]
        s_pos = jnp.clip(c0, 0, TOTAL - 1)
        d_pos = jnp.clip(c1 - 1, 0, TOTAL - 1)
        bval_v[pl.ds(k * 16, 16)] = plsc.load_gather(nodes_v, [s_pos])
        bval_v[pl.ds(PPW + k * 16, 16)] = plsc.load_gather(nodes_v, [d_pos])
    pltpu.sync_copy(bval_v.at[pl.ds(0, PPW)], src_hbm.at[pl.ds(p0, PPW)])
    pltpu.sync_copy(bval_v.at[pl.ds(PPW, PPW)], dst_hbm.at[pl.ds(p0, PPW)])

    one = jnp.ones((16,), jnp.float32)
    zero = jnp.zeros((16,), jnp.float32)

    def zbody(r, _):
        for c in range(FP // 16):
            acc_v[r, pl.ds(c * 16, 16)] = one
        for c in range(FP // 16, 8):
            acc_v[r, pl.ds(c * 16, 16)] = zero
        return 0

    lax.fori_loop(0, PPW, zbody, 0)

    c_lo = cs_v[pl.ds(0, 16)][0]
    c_hi = cs_v[pl.ds(PPW, 16)][0]
    s0 = (c_lo // 8) * 8
    nch = (c_hi - s0 + CHK - 1) // CHK

    gbufs = (gbuf0_v, gbuf1_v)
    sems = (sem0, sem1)

    def _gather(ci, b):
        return pltpu.make_async_copy(
            tab_hbm.at[nodes_v.at[pl.ds(s0 + ci * CHK, CHK)]], gbufs[b],
            sems[b])

    def _advance(rp, i):
        v = cs_v[pl.ds(rp + 1, 16)]
        ind = jnp.minimum(jnp.maximum(i - v + 1, 0), 1)
        return jnp.minimum(rp + jnp.sum(ind), PPW - 1)

    def _flush(st, i):
        rp = st[0]
        for c in range(3):
            acc_v[rp, pl.ds(c * 16, 16)] = st[2 + c]
            acc_v[rp, pl.ds(FP + c * 16, 16)] = st[5 + c]
        rp1 = _advance(rp, i)

        def catchup(r):
            return lax.fori_loop(0, PPW // 16 - 1,
                                 lambda _, rr: _advance(rr, i), r)

        rp2 = lax.cond(rp1 - rp == 16, catchup, lambda r: r, rp1)
        nxt = cs_v[pl.ds(rp2 + 1, 16)][0]
        one = jnp.ones((16,), jnp.float32)
        zero = jnp.zeros((16,), jnp.float32)
        return (rp2, nxt, one, one, one, zero, zero, zero)

    def _make_loop(buf, guarded, s_base):
        def item(j, st):
            i = s_base + j
            fl = st[1] <= i
            if guarded:
                fl = jnp.logical_and(fl, i <= c_hi)
            st = lax.cond(fl, lambda s: _flush(s, i), lambda s: s, st)
            rp, nxt, r0, r1, r2, q0, q1, q2 = st
            b0 = buf[j, pl.ds(0, 16)]
            b1 = buf[j, pl.ds(16, 16)]
            b2 = buf[j, pl.ds(32, 16)]
            d0 = buf[j, pl.ds(FP, 16)]
            d1 = buf[j, pl.ds(FP + 16, 16)]
            d2 = buf[j, pl.ds(FP + 32, 16)]
            n0 = r0 * b0 - q0 * d0
            n1 = r1 * b1 - q1 * d1
            n2 = r2 * b2 - q2 * d2
            m0 = r0 * d0 + q0 * b0
            m1 = r1 * d1 + q1 * b1
            m2 = r2 * d2 + q2 * b2
            if guarded:
                ok = jnp.logical_and(i >= c_lo, i < c_hi)
                n0 = jnp.where(ok, n0, r0)
                n1 = jnp.where(ok, n1, r1)
                n2 = jnp.where(ok, n2, r2)
                m0 = jnp.where(ok, m0, q0)
                m1 = jnp.where(ok, m1, q1)
                m2 = jnp.where(ok, m2, q2)
            return (rp, nxt, n0, n1, n2, m0, m1, m2)

        return item

    def _proc(ci, st, b):
        _gather(ci, b).wait()
        s_base = s0 + ci * CHK
        edge = jnp.logical_or(ci == 0, ci == nch - 1)
        st = lax.cond(
            edge,
            lambda s: lax.fori_loop(0, CHK, _make_loop(gbufs[b], True,
                                                       s_base), s),
            lambda s: lax.fori_loop(0, CHK, _make_loop(gbufs[b], False,
                                                       s_base), s),
            st)

        @pl.when(ci + 2 < nch)
        def _():
            _gather(ci + 2, b).start()

        return st

    @pl.when(0 < nch)
    def _():
        _gather(0, 0).start()

    @pl.when(1 < nch)
    def _():
        _gather(1, 1).start()

    one0 = jnp.ones((16,), jnp.float32)
    zero0 = jnp.zeros((16,), jnp.float32)
    st0 = (jnp.int32(0), cs_v[pl.ds(1, 16)][0],
           one0, one0, one0, zero0, zero0, zero0)

    def chunk_pair(cc, st):
        ci = cc * 2
        st = lax.cond(ci < nch, lambda s: _proc(ci, s, 0), lambda s: s, st)
        st = lax.cond(ci + 1 < nch,
                      lambda s: _proc(ci + 1, s, 1), lambda s: s, st)
        return st

    NCH_MAX = (TOTAL + 7 + CHK - 1) // CHK + 1
    stf = lax.fori_loop(0, (NCH_MAX + 1) // 2, chunk_pair, st0)

    @pl.when(s0 + nch * CHK == c_hi)
    def _():
        rp = stf[0]
        for c in range(3):
            acc_v[rp, pl.ds(c * 16, 16)] = stf[2 + c]
            acc_v[rp, pl.ds(FP + c * 16, 16)] = stf[5 + c]

    pltpu.sync_copy(acc_v, osum_hbm.at[pl.ds(p0, PPW)])



def _stage_c(sum_ref, big_ref, ic_ref, is_ref, o_ref):
    del big_ref
    x = sum_ref[:, :]
    fr = x[:, 0:FP]
    fi = x[:, FP:2 * FP]
    dn = (((1,), (1,)), ((), ()))
    y = (lax.dot_general(ic_ref[:, :], fr, dn, precision=LO)
         + lax.dot_general(is_ref[:, :], fi, dn, precision=LO))
    y = jnp.maximum(y, 0.0)
    o_ref[:, :] = y / (jnp.sum(y, axis=0, keepdims=True) + 1e-8)



@jax.jit
def kernel(params, path_nodes, path_cumsum):
    f32 = jnp.float32
    tt = jnp.arange(T, dtype=f32)
    kk = jnp.arange(FP, dtype=f32)
    kmask = (kk < F).astype(f32)
    ang = 2.0 * math.pi * jnp.outer(tt, kk) / T
    cc = jnp.cos(ang) * kmask
    ss = -jnp.sin(ang) * kmask
    mbasis = jnp.concatenate([cc, ss, jnp.zeros((T, 128 - 2 * FP), f32)],
                             axis=1)
    params_t = jnp.pad(params.T, ((0, 0), (0, NPAD - N)))
    w = jnp.where((kk == 0) | (kk == F - 1), 1.0, 2.0) * kmask
    tflip = (T - 1) - tt
    ang2 = 2.0 * math.pi * jnp.outer(tflip, kk) / T
    ic = jnp.cos(ang2) * w / T
    isn = -jnp.sin(ang2) * w / T

    grid_a = NPAD // BN
    tab = pl.pallas_call(
        _stage_a1,
        grid=(grid_a,),
        in_specs=[
            pl.BlockSpec((BN, 2), lambda i: (i, 0)),
            pl.BlockSpec((T, 128), lambda i: (0, 0)),
        ],
        out_specs=pl.BlockSpec((BN, 128), lambda i: (i, 0)),
        out_shape=jax.ShapeDtypeStruct((NPAD, 128), f32),
    )(params, mbasis)

    NOUT = NPATHS + N
    big = pl.pallas_call(
        _stage_a2,
        grid=(grid_a,),
        in_specs=[
            pl.BlockSpec((2, BN), lambda i: (0, i)),
        ],
        out_specs=pl.BlockSpec((T, BN), lambda i: (0, i + NPATHS // BN)),
        out_shape=jax.ShapeDtypeStruct((T, NOUT), f32),
    )(params_t)

    nodes_pad = jnp.zeros((TOTAL + CHK + 8,), jnp.int32).at[:TOTAL].set(
        path_nodes.astype(jnp.int32))
    cs_pad = jnp.full((NPATHS + 16,), TOTAL, jnp.int32).at[:NPATHS + 1].set(
        path_cumsum.astype(jnp.int32))
    cs1_pad = jnp.full((NPATHS + 16,), TOTAL, jnp.int32).at[:NPATHS].set(
        path_cumsum[1:].astype(jnp.int32))

    mesh = plsc.VectorSubcoreMesh(core_axis_name="c", subcore_axis_name="s")
    sums, src, dst = pl.kernel(
        _stage_b,
        out_type=[
            jax.ShapeDtypeStruct((NPATHS, 128), f32),
            jax.ShapeDtypeStruct((NPATHS,), jnp.int32),
            jax.ShapeDtypeStruct((NPATHS,), jnp.int32),
        ],
        mesh=mesh,
        scratch_types=[
            pltpu.VMEM((TOTAL + CHK + 8,), jnp.int32),
            pltpu.VMEM((PPW + 16,), jnp.int32),
            pltpu.VMEM((PPW + 16,), jnp.int32),
            pltpu.VMEM((CHK, 128), f32),
            pltpu.VMEM((CHK, 128), f32),
            pltpu.VMEM((PPW, 128), f32),
            pltpu.VMEM((2 * PPW,), jnp.int32),
            pltpu.SemaphoreType.DMA,
            pltpu.SemaphoreType.DMA,
            pltpu.SemaphoreType.DMA,
        ],
        compiler_params=pltpu.CompilerParams(needs_layout_passes=False),
    )(tab, nodes_pad, cs_pad, cs1_pad)

    grid_c = NPATHS // BP
    out_t = pl.pallas_call(
        _stage_c,
        grid=(grid_c,),
        in_specs=[
            pl.BlockSpec((BP, 128), lambda i: (i, 0)),
            pl.BlockSpec(memory_space=pl.ANY),
            pl.BlockSpec((T, FP), lambda i: (0, 0)),
            pl.BlockSpec((T, FP), lambda i: (0, 0)),
        ],
        out_specs=pl.BlockSpec((T, BP), lambda i: (0, i)),
        out_shape=jax.ShapeDtypeStruct((T, NOUT), f32),
        input_output_aliases={1: 0},
    )(sums, big, ic, isn)
    irfs_agg = out_t.T

    diag_idx = jnp.arange(N, dtype=src.dtype)
    coords = jnp.stack([jnp.concatenate([src, diag_idx]),
                        jnp.concatenate([dst, diag_idx])], axis=0)
    return (coords, irfs_agg)

# --- scband reference (transcript-rebuilt; emitter-appended) ---
"""Pipeline reference for scband-irfaggregator-39049842655549 (READ-ONLY COPY).

The authoritative reference and input builder live on the scoring server;
editing this copy changes nothing except your own understanding.
"""

import jax, jax.numpy as jnp
import numpy as np

N = 50000
TOTAL = 32768
NPATHS = 8192
MAX_DELAY = 64
DT = 1
T = MAX_DELAY * int(1 / DT)


def setup_inputs(seed: int = 0) -> dict:
    key = jax.random.key(seed)
    k1, k2, k3 = jax.random.split(key, 3)
    params = jax.random.normal(k1, (N, 2), dtype=jnp.float32)
    path_nodes = jax.random.randint(k2, (TOTAL,), 0, N)
    cuts = jnp.sort(jax.random.randint(k3, (NPATHS + 1,), 0, TOTAL + 1))
    path_cumsum = cuts.at[0].set(0).at[-1].set(TOTAL).astype(jnp.int32)
    return {"params": params, "path_nodes": path_nodes, "path_cumsum": path_cumsum}


def irf_fn(params):
    # gamma-like impulse response per node, normalized over the expanded time window
    t = (jnp.arange(T, dtype=jnp.float32) + 1.0) * DT
    a = jax.nn.softplus(params[:, 0:1]) + 0.5
    b = jax.nn.softplus(params[:, 1:2]) + 0.1
    irf = t[None, :] ** a * jnp.exp(-b * t[None, :])
    return irf / (irf.sum(-1, keepdims=True) + 1e-12)


def reference(params, path_nodes, path_cumsum):
    # irfs = irf_fn(params, time_window, dt); rfft along time
    irfs = irf_fn(params)
    irfs_freq = jnp.fft.rfft(irfs, n=T, axis=-1)  # [N, F] complex
    # log_transitive_closure: product of per-node transfer functions along each
    # ragged path (flat path_nodes + path_cumsum offsets), done in log domain
    log_f = jnp.log(irfs_freq + 1e-20)
    pos = jnp.arange(TOTAL)
    seg_ids = jnp.searchsorted(path_cumsum, pos, side='right') - 1
    gathered = log_f[path_nodes]  # [TOTAL, F] gather (memory bound)
    lr = jax.ops.segment_sum(jnp.real(gathered), seg_ids, num_segments=NPATHS)
    li = jax.ops.segment_sum(jnp.imag(gathered), seg_ids, num_segments=NPATHS)
    freq_agg = jnp.exp(lr) * (jnp.cos(li) + 1j * jnp.sin(li))  # [NPATHS, F]
    src = path_nodes[jnp.clip(path_cumsum[:-1], 0, TOTAL - 1)]
    dst = path_nodes[jnp.clip(path_cumsum[1:] - 1, 0, TOTAL - 1)]
    # include_index_diag=True: append each node's own IRF on the diagonal
    diag_idx = jnp.arange(N)
    coords = jnp.stack([jnp.concatenate([src, diag_idx]),
                        jnp.concatenate([dst, diag_idx])], axis=0)
    freq_all = jnp.concatenate([freq_agg, irfs_freq], axis=0)
    irfs_agg = jnp.fft.irfft(freq_all, n=T, axis=-1)
    # forward tail: relu -> sampler.phi_k (avg pool over int(1/dt)=1) -> flip -> normalize
    irfs_agg = jax.nn.relu(irfs_agg)
    k = int(1 / DT)
    irfs_agg = irfs_agg.reshape(irfs_agg.shape[0], T // k, k).mean(-1)
    irfs_agg = jnp.flip(irfs_agg, axis=-1)
    irfs_agg = irfs_agg / (irfs_agg.sum(-1, keepdims=True) + 1e-8)
    return (coords, irfs_agg)

if __name__ == "__main__":
    import jax
    _d = setup_inputs()
    print(jax.jit(kernel)(*tuple(_d.values())))

</pallas_src>

<mosaic_0001>
#map = affine_map<(d0, d1) -> (0, 0)>
#map1 = affine_map<(d0, d1) -> (0)>
module attributes {stable_mosaic.version = 14 : i64} {
  func.func @_stage_b(%arg0: i32, %arg1: i32, %arg2: memref<50176x128xf32, #tpu.memory_space<hbm>>, %arg3: memref<32904xi32, #tpu.memory_space<hbm>>, %arg4: memref<8208xi32, #tpu.memory_space<hbm>>, %arg5: memref<8208xi32, #tpu.memory_space<hbm>>, %arg6: memref<8192x128xf32, #tpu.memory_space<hbm>>, %arg7: memref<8192xi32, #tpu.memory_space<hbm>>, %arg8: memref<8192xi32, #tpu.memory_space<hbm>>, %arg9: memref<32904xi32, #tpu.memory_space<vmem>>, %arg10: memref<272xi32, #tpu.memory_space<vmem>>, %arg11: memref<272xi32, #tpu.memory_space<vmem>>, %arg12: memref<128x128xf32, #tpu.memory_space<vmem>>, %arg13: memref<128x128xf32, #tpu.memory_space<vmem>>, %arg14: memref<256x128xf32, #tpu.memory_space<vmem>>, %arg15: memref<512xi32, #tpu.memory_space<vmem>>, %arg16: memref<!tpu.dma_semaphore, #tpu.memory_space<semaphore_mem>>, %arg17: memref<!tpu.dma_semaphore, #tpu.memory_space<semaphore_mem>>, %arg18: memref<!tpu.dma_semaphore, #tpu.memory_space<semaphore_mem>>) attributes {dimension_semantics = [#tpu.dimension_semantics<core_parallel>, #tpu.dimension_semantics<subcore_parallel>], iteration_bounds = array<i64: 2, 16>, scalar_prefetch = 0 : i64, scratch_operands = 10 : i64, tpu.core_type = #tpu.core_type<sc_vector_subcore>, window_params = [{transform_indices = #map}, {transform_indices = #map1}, {transform_indices = #map1}, {transform_indices = #map1}, {transform_indices = #map}, {transform_indices = #map1}, {transform_indices = #map1}]} {
    %mul3A = arith.constant 2 : i32
    %mul3A_0 = arith.muli %arg1, %mul3A : i32
    %add3A = arith.addi %mul3A_0, %arg0 : i32
    %mul3A_1 = arith.constant 256 : i32
    %mul3A_2 = arith.muli %add3A, %mul3A_1 : i32
    %multiple_of3A = tpu.assume_multiple %mul3A_2, 256 : i32
    "tpu.region"() ({
      %run_scoped3A = tpu.sem_alloc : memref<!tpu.dma_semaphore, #tpu.memory_space<semaphore_mem>>
      tpu.enqueue_dma source(%arg3 : memref<32904xi32, #tpu.memory_space<hbm>>) target(%arg9 : memref<32904xi32, #tpu.memory_space<vmem>>) target_semaphore(%run_scoped3A : memref<!tpu.dma_semaphore, #tpu.memory_space<semaphore_mem>>)
      tpu.wait_dma2 semaphore(%run_scoped3A : memref<!tpu.dma_semaphore, #tpu.memory_space<semaphore_mem>>) src(%arg3 : memref<32904xi32, #tpu.memory_space<hbm>>) dst(%arg9 : memref<32904xi32, #tpu.memory_space<vmem>>)
      tpu.yield
    }) : () -> ()
    "tpu.region"() ({
      %run_scoped3A = tpu.sem_alloc : memref<!tpu.dma_semaphore, #tpu.memory_space<semaphore_mem>>
      %dma_start3A = tpu.memref_slice %arg4[%multiple_of3A] : memref<8208xi32, #tpu.memory_space<hbm>> -> memref<272xi32, #tpu.memory_space<hbm>>
      %dma_start3A_488 = tpu.memref_slice %arg4[%multiple_of3A] : memref<8208xi32, #tpu.memory_space<hbm>> -> memref<272xi32, #tpu.memory_space<hbm>>
      tpu.enqueue_dma source(%dma_start3A_488 : memref<272xi32, #tpu.memory_space<hbm>>) target(%arg10 : memref<272xi32, #tpu.memory_space<vmem>>) target_semaphore(%run_scoped3A : memref<!tpu.dma_semaphore, #tpu.memory_space<semaphore_mem>>)
      %dma_wait3A = tpu.memref_slice %arg4[%multiple_of3A] : memref<8208xi32, #tpu.memory_space<hbm>> -> memref<272xi32, #tpu.memory_space<hbm>>
      %dma_wait3A_489 = tpu.memref_slice %arg4[%multiple_of3A] : memref<8208xi32, #tpu.memory_space<hbm>> -> memref<272xi32, #tpu.memory_space<hbm>>
      tpu.wait_dma2 semaphore(%run_scoped3A : memref<!tpu.dma_semaphore, #tpu.memory_space<semaphore_mem>>) src(%dma_wait3A_489 : memref<272xi32, #tpu.memory_space<hbm>>) dst(%arg10 : memref<272xi32, #tpu.memory_space<vmem>>)
      tpu.yield
    }) : () -> ()
    "tpu.region"() ({
      %run_scoped3A = tpu.sem_alloc : memref<!tpu.dma_semaphore, #tpu.memory_space<semaphore_mem>>
      %dma_start3A = tpu.memref_slice %arg5[%multiple_of3A] : memref<8208xi32, #tpu.memory_space<hbm>> -> memref<272xi32, #tpu.memory_space<hbm>>
      %dma_start3A_488 = tpu.memref_slice %arg5[%multiple_of3A] : memref<8208xi32, #tpu.memory_space<hbm>> -> memref<272xi32, #tpu.memory_space<hbm>>
      tpu.enqueue_dma source(%dma_start3A_488 : memref<272xi32, #tpu.memory_space<hbm>>) target(%arg11 : memref<272xi32, #tpu.memory_space<vmem>>) target_semaphore(%run_scoped3A : memref<!tpu.dma_semaphore, #tpu.memory_space<semaphore_mem>>)
      %dma_wait3A = tpu.memref_slice %arg5[%multiple_of3A] : memref<8208xi32, #tpu.memory_space<hbm>> -> memref<272xi32, #tpu.memory_space<hbm>>
      %dma_wait3A_489 = tpu.memref_slice %arg5[%multiple_of3A] : memref<8208xi32, #tpu.memory_space<hbm>> -> memref<272xi32, #tpu.memory_space<hbm>>
      tpu.wait_dma2 semaphore(%run_scoped3A : memref<!tpu.dma_semaphore, #tpu.memory_space<semaphore_mem>>) src(%dma_wait3A_489 : memref<272xi32, #tpu.memory_space<hbm>>) dst(%arg11 : memref<272xi32, #tpu.memory_space<vmem>>)
      tpu.yield
    }) : () -> ()
    %get3A = arith.constant 0 : index
    %get3A_3 = tpu.vector_load %arg10[%get3A] {strides = array<i32>} : memref<272xi32, #tpu.memory_space<vmem>>, vector<16xi32>,
    %get3A_4 = arith.constant 0 : index
    %get3A_5 = tpu.vector_load %arg11[%get3A_4] {strides = array<i32>} : memref<272xi32, #tpu.memory_space<vmem>>, vector<16xi32>,
    %jit3A = arith.constant 0 : i32
    %jit3A_6 = arith.constant 32767 : i32
    %max3A = vector.broadcast %jit3A : i32 to vector<16xi32>
    %max3A_7 = arith.maxsi %max3A, %get3A_3 : vector<16xi32>
    %min3A = vector.broadcast %jit3A_6 : i32 to vector<16xi32>
    %min3A_8 = arith.minsi %min3A, %max3A_7 : vector<16xi32>
    %sub3A = arith.constant 1 : i32
    %sub3A_9 = vector.broadcast %sub3A : i32 to vector<16xi32>
    %sub3A_10 = arith.subi %get3A_5, %sub3A_9 : vector<16xi32>
    %jit3A_11 = arith.constant 0 : i32
    %jit3A_12 = arith.constant 32767 : i32
    %max3A_13 = vector.broadcast %jit3A_11 : i32 to vector<16xi32>
    %max3A_14 = arith.maxsi %max3A_13, %sub3A_10 : vector<16xi32>
    %min3A_15 = vector.broadcast %jit3A_12 : i32 to vector<16xi32>
    %min3A_16 = arith.minsi %min3A_15, %max3A_14 : vector<16xi32>
    %gather3A = tpu.vector_load_idx %arg9[%min3A_8] : memref<32904xi32, #tpu.memory_space<vmem>>[vector<16xi32>], vector<16xi32>,
    %swap3A = arith.constant 0 : index
    %swap3A_17 = tpu.vector_load %arg15[%swap3A] {strides = array<i32>} : memref<512xi32, #tpu.memory_space<vmem>>, vector<16xi32>,
    tpu.vector_store %arg15[%swap3A], %gather3A {strides = array<i32>} : memref<512xi32, #tpu.memory_space<vmem>>, vector<16xi32>,
    %gather3A_18 = tpu.vector_load_idx %arg9[%min3A_16] : memref<32904xi32, #tpu.memory_space<vmem>>[vector<16xi32>], vector<16xi32>,
    %swap3A_19 = arith.constant 256 : index
    %swap3A_20 = tpu.vector_load %arg15[%swap3A_19] {strides = array<i32>} : memref<512xi32, #tpu.memory_space<vmem>>, vector<16xi32>,
    tpu.vector_store %arg15[%swap3A_19], %gather3A_18 {strides = array<i32>} : memref<512xi32, #tpu.memory_space<vmem>>, vector<16xi32>,
    %get3A_21 = arith.constant 16 : index
    %get3A_22 = tpu.vector_load %arg10[%get3A_21] {strides = array<i32>} : memref<272xi32, #tpu.memory_space<vmem>>, vector<16xi32>,
    %get3A_23 = arith.constant 16 : index
    %get3A_24 = tpu.vector_load %arg11[%get3A_23] {strides = array<i32>} : memref<272xi32, #tpu.memory_space<vmem>>, vector<16xi32>,
    %jit3A_25 = arith.constant 0 : i32
    %jit3A_26 = arith.constant 32767 : i32
    %max3A_27 = vector.broadcast %jit3A_25 : i32 to vector<16xi32>
    %max3A_28 = arith.maxsi %max3A_27, %get3A_22 : vector<16xi32>
    %min3A_29 = vector.broadcast %jit3A_26 : i32 to vector<16xi32>
    %min3A_30 = arith.minsi %min3A_29, %max3A_28 : vector<16xi32>
    %sub3A_31 = arith.constant 1 : i32
    %sub3A_32 = vector.broadcast %sub3A_31 : i32 to vector<16xi32>
    %sub3A_33 = arith.subi %get3A_24, %sub3A_32 : vector<16xi32>
    %jit3A_34 = arith.constant 0 : i32
    %jit3A_35 = arith.constant 32767 : i32
    %max3A_36 = vector.broadcast %jit3A_34 : i32 to vector<16xi32>
    %max3A_37 = arith.maxsi %max3A_36, %sub3A_33 : vector<16xi32>
    %min3A_38 = vector.broadcast %jit3A_35 : i32 to vector<16xi32>
    %min3A_39 = arith.minsi %min3A_38, %max3A_37 : vector<16xi32>
    %gather3A_40 = tpu.vector_load_idx %arg9[%min3A_30] : memref<32904xi32, #tpu.memory_space<vmem>>[vector<16xi32>], vector<16xi32>,
    %swap3A_41 = arith.constant 16 : index
    %swap3A_42 = tpu.vector_load %arg15[%swap3A_41] {strides = array<i32>} : memref<512xi32, #tpu.memory_space<vmem>>, vector<16xi32>,
    tpu.vector_store %arg15[%swap3A_41], %gather3A_40 {strides = array<i32>} : memref<512xi32, #tpu.memory_space<vmem>>, vector<16xi32>,
    %gather3A_43 = tpu.vector_load_idx %arg9[%min3A_39] : memref<32904xi32, #tpu.memory_space<vmem>>[vector<16xi32>], vector<16xi32>,
    %swap3A_44 = arith.constant 272 : index
    %swap3A_45 = tpu.vector_load %arg15[%swap3A_44] {strides = array<i32>} : memref<512xi32, #tpu.memory_space<vmem>>, vector<16xi32>,
    tpu.vector_store %arg15[%swap3A_44], %gather3A_43 {strides = array<i32>} : memref<512xi32, #tpu.memory_space<vmem>>, vector<16xi32>,
    %get3A_46 = arith.constant 32 : index
    %get3A_47 = tpu.vector_load %arg10[%get3A_46] {strides = array<i32>} : memref<272xi32, #tpu.memory_space<vmem>>, vector<16xi32>,
    %get3A_48 = arith.constant 32 : index
    %get3A_49 = tpu.vector_load %arg11[%get3A_48] {strides = array<i32>} : memref<272xi32, #tpu.memory_space<vmem>>, vector<16xi32>,
    %jit3A_50 = arith.constant 0 : i32
    %jit3A_51 = arith.constant 32767 : i32
    %max3A_52 = vector.broadcast %jit3A_50 : i32 to vector<16xi32>
    %max3A_53 = arith.maxsi %max3A_52, %get3A_47 : vector<16xi32>
    %min3A_54 = vector.broadcast %jit3A_51 : i32 to vector<16xi32>
    %min3A_55 = arith.minsi %min3A_54, %max3A_53 : vector<16xi32>
    %sub3A_56 = arith.constant 1 : i32
    %sub3A_57 = vector.broadcast %sub3A_56 : i32 to vector<16xi32>
    %sub3A_58 = arith.subi %get3A_49, %sub3A_57 : vector<16xi32>
    %jit3A_59 = arith.constant 0 : i32
    %jit3A_60 = arith.constant 32767 : i32
    %max3A_61 = vector.broadcast %jit3A_59 : i32 to vector<16xi32>
    %max3A_62 = arith.maxsi %max3A_61, %sub3A_58 : vector<16xi32>
    %min3A_63 = vector.broadcast %jit3A_60 : i32 to vector<16xi32>
    %min3A_64 = arith.minsi %min3A_63, %max3A_62 : vector<16xi32>
    %gather3A_65 = tpu.vector_load_idx %arg9[%min3A_55] : memref<32904xi32, #tpu.memory_space<vmem>>[vector<16xi32>], vector<16xi32>,
    %swap3A_66 = arith.constant 32 : index
    %swap3A_67 = tpu.vector_load %arg15[%swap3A_66] {strides = array<i32>} : memref<512xi32, #tpu.memory_space<vmem>>, vector<16xi32>,
    tpu.vector_store %arg15[%swap3A_66], %gather3A_65 {strides = array<i32>} : memref<512xi32, #tpu.memory_space<vmem>>, vector<16xi32>,
    %gather3A_68 = tpu.vector_load_idx %arg9[%min3A_64] : memref<32904xi32, #tpu.memory_space<vmem>>[vector<16xi32>], vector<16xi32>,
    %swap3A_69 = arith.constant 288 : index
    %swap3A_70 = tpu.vector_load %arg15[%swap3A_69] {strides = array<i32>} : memref<512xi32, #tpu.memory_space<vmem>>, vector<16xi32>,
    tpu.vector_store %arg15[%swap3A_69], %gather3A_68 {strides = array<i32>} : memref<512xi32, #tpu.memory_space<vmem>>, vector<16xi32>,
    %get3A_71 = arith.constant 48 : index
    %get3A_72 = tpu.vector_load %arg10[%get3A_71] {strides = array<i32>} : memref<272xi32, #tpu.memory_space<vmem>>, vector<16xi32>,
    %get3A_73 = arith.constant 48 : index
    %get3A_74 = tpu.vector_load %arg11[%get3A_73] {strides = array<i32>} : memref<272xi32, #tpu.memory_space<vmem>>, vector<16xi32>,
    %jit3A_75 = arith.constant 0 : i32
    %jit3A_76 = arith.constant 32767 : i32
    %max3A_77 = vector.broadcast %jit3A_75 : i32 to vector<16xi32>
    %max3A_78 = arith.maxsi %max3A_77, %get3A_72 : vector<16xi32>
    %min3A_79 = vector.broadcast %jit3A_76 : i32 to vector<16xi32>
    %min3A_80 = arith.minsi %min3A_79, %max3A_78 : vector<16xi32>
    %sub3A_81 = arith.constant 1 : i32
    %sub3A_82 = vector.broadcast %sub3A_81 : i32 to vector<16xi32>
    %sub3A_83 = arith.subi %get3A_74, %sub3A_82 : vector<16xi32>
    %jit3A_84 = arith.constant 0 : i32
    %jit3A_85 = arith.constant 32767 : i32
    %max3A_86 = vector.broadcast %jit3A_84 : i32 to vector<16xi32>
    %max3A_87 = arith.maxsi %max3A_86, %sub3A_83 : vector<16xi32>
    %min3A_88 = vector.broadcast %jit3A_85 : i32 to vector<16xi32>
    %min3A_89 = arith.minsi %min3A_88, %max3A_87 : vector<16xi32>
    %gather3A_90 = tpu.vector_load_idx %arg9[%min3A_80] : memref<32904xi32, #tpu.memory_space<vmem>>[vector<16xi32>], vector<16xi32>,
    %swap3A_91 = arith.constant 48 : index
    %swap3A_92 = tpu.vector_load %arg15[%swap3A_91] {strides = array<i32>} : memref<512xi32, #tpu.memory_space<vmem>>, vector<16xi32>,
    tpu.vector_store %arg15[%swap3A_91], %gather3A_90 {strides = array<i32>} : memref<512xi32, #tpu.memory_space<vmem>>, vector<16xi32>,
    %gather3A_93 = tpu.vector_load_idx %arg9[%min3A_89] : memref<32904xi32, #tpu.memory_space<vmem>>[vector<16xi32>], vector<16xi32>,
    %swap3A_94 = arith.constant 304 : index
    %swap3A_95 = tpu.vector_load %arg15[%swap3A_94] {strides = array<i32>} : memref<512xi32, #tpu.memory_space<vmem>>, vector<16xi32>,
    tpu.vector_store %arg15[%swap3A_94], %gather3A_93 {strides = array<i32>} : memref<512xi32, #tpu.memory_space<vmem>>, vector<16xi32>,
    %get3A_96 = arith.constant 64 : index
    %get3A_97 = tpu.vector_load %arg10[%get3A_96] {strides = array<i32>} : memref<272xi32, #tpu.memory_space<vmem>>, vector<16xi32>,
    %get3A_98 = arith.constant 64 : index
    %get3A_99 = tpu.vector_load %arg11[%get3A_98] {strides = array<i32>} : memref<272xi32, #tpu.memory_space<vmem>>, vector<16xi32>,
    %jit3A_100 = arith.constant 0 : i32
    %jit3A_101 = arith.constant 32767 : i32
    %max3A_102 = vector.broadcast %jit3A_100 : i32 to vector<16xi32>
    %max3A_103 = arith.maxsi %max3A_102, %get3A_97 : vector<16xi32>
    %min3A_104 = vector.broadcast %jit3A_101 : i32 to vector<16xi32>
    %min3A_105 = arith.minsi %min3A_104, %max3A_103 : vector<16xi32>
    %sub3A_106 = arith.constant 1 : i32
    %sub3A_107 = vector.broadcast %sub3A_106 : i32 to vector<16xi32>
    %sub3A_108 = arith.subi %get3A_99, %sub3A_107 : vector<16xi32>
    %jit3A_109 = arith.constant 0 : i32
    %jit3A_110 = arith.constant 32767 : i32
    %max3A_111 = vector.broadcast %jit3A_109 : i32 to vector<16xi32>
    %max3A_112 = arith.maxsi %max3A_111, %sub3A_108 : vector<16xi32>
    %min3A_113 = vector.broadcast %jit3A_110 : i32 to vector<16xi32>
    %min3A_114 = arith.minsi %min3A_113, %max3A_112 : vector<16xi32>
    %gather3A_115 = tpu.vector_load_idx %arg9[%min3A_105] : memref<32904xi32, #tpu.memory_space<vmem>>[vector<16xi32>], vector<16xi32>,
    %swap3A_116 = arith.constant 64 : index
    %swap3A_117 = tpu.vector_load %arg15[%swap3A_116] {strides = array<i32>} : memref<512xi32, #tpu.memory_space<vmem>>, vector<16xi32>,
    tpu.vector_store %arg15[%swap3A_116], %gather3A_115 {strides = array<i32>} : memref<512xi32, #tpu.memory_space<vmem>>, vector<16xi32>,
    %gather3A_118 = tpu.vector_load_idx %arg9[%min3A_114] : memref<32904xi32, #tpu.memory_space<vmem>>[vector<16xi32>], vector<16xi32>,
    %swap3A_119 = arith.constant 320 : index
    %swap3A_120 = tpu.vector_load %arg15[%swap3A_119] {strides = array<i32>} : memref<512xi32, #tpu.memory_space<vmem>>, vector<16xi32>,
    tpu.vector_store %arg15[%swap3A_119], %gather3A_118 {strides = array<i32>} : memref<512xi32, #tpu.memory_space<vmem>>, vector<16xi32>,
    %get3A_121 = arith.constant 80 : index
    %get3A_122 = tpu.vector_load %arg10[%get3A_121] {strides = array<i32>} : memref<272xi32, #tpu.memory_space<vmem>>, vector<16xi32>,
    %get3A_123 = arith.constant 80 : index
    %get3A_124 = tpu.vector_load %arg11[%get3A_123] {strides = array<i32>} : memref<272xi32, #tpu.memory_space<vmem>>, vector<16xi32>,
    %jit3A_125 = arith.constant 0 : i32
    %jit3A_126 = arith.constant 32767 : i32
    %max3A_127 = vector.broadcast %jit3A_125 : i32 to vector<16xi32>
    %max3A_128 = arith.maxsi %max3A_127, %get3A_122 : vector<16xi32>
    %min3A_129 = vector.broadcast %jit3A_126 : i32 to vector<16xi32>
    %min3A_130 = arith.minsi %min3A_129, %max3A_128 : vector<16xi32>
    %sub3A_131 = arith.constant 1 : i32
    %sub3A_132 = vector.broadcast %sub3A_131 : i32 to vector<16xi32>
    %sub3A_133 = arith.subi %get3A_124, %sub3A_132 : vector<16xi32>
    %jit3A_134 = arith.constant 0 : i32
    %jit3A_135 = arith.constant 32767 : i32
    %max3A_136 = vector.broadcast %jit3A_134 : i32 to vector<16xi32>
    %max3A_137 = arith.maxsi %max3A_136, %sub3A_133 : vector<16xi32>
    %min3A_138 = vector.broadcast %jit3A_135 : i32 to vector<16xi32>
    %min3A_139 = arith.minsi %min3A_138, %max3A_137 : vector<16xi32>
    %gather3A_140 = tpu.vector_load_idx %arg9[%min3A_130] : memref<32904xi32, #tpu.memory_space<vmem>>[vector<16xi32>], vector<16xi32>,
    %swap3A_141 = arith.constant 80 : index
    %swap3A_142 = tpu.vector_load %arg15[%swap3A_141] {strides = array<i32>} : memref<512xi32, #tpu.memory_space<vmem>>, vector<16xi32>,
    tpu.vector_store %arg15[%swap3A_141], %gather3A_140 {strides = array<i32>} : memref<512xi32, #tpu.memory_space<vmem>>, vector<16xi32>,
    %gather3A_143 = tpu.vector_load_idx %arg9[%min3A_139] : memref<32904xi32, #tpu.memory_space<vmem>>[vector<16xi32>], vector<16xi32>,
    %swap3A_144 = arith.constant 336 : index
    %swap3A_145 = tpu.vector_load %arg15[%swap3A_144] {strides = array<i32>} : memref<512xi32, #tpu.memory_space<vmem>>, vector<16xi32>,
    tpu.vector_store %arg15[%swap3A_144], %gather3A_143 {strides = array<i32>} : memref<512xi32, #tpu.memory_space<vmem>>, vector<16xi32>,
    %get3A_146 = arith.constant 96 : index
    %get3A_147 = tpu.vector_load %arg10[%get3A_146] {strides = array<i32>} : memref<272xi32, #tpu.memory_space<vmem>>, vector<16xi32>,
    %get3A_148 = arith.constant 96 : index
    %get3A_149 = tpu.vector_load %arg11[%get3A_148] {strides = array<i32>} : memref<272xi32, #tpu.memory_space<vmem>>, vector<16xi32>,
    %jit3A_150 = arith.constant 0 : i32
    %jit3A_151 = arith.constant 32767 : i32
    %max3A_152 = vector.broadcast %jit3A_150 : i32 to vector<16xi32>
    %max3A_153 = arith.maxsi %max3A_152, %get3A_147 : vector<16xi32>
    %min3A_154 = vector.broadcast %jit3A_151 : i32 to vector<16xi32>
    %min3A_155 = arith.minsi %min3A_154, %max3A_153 : vector<16xi32>
    %sub3A_156 = arith.constant 1 : i32
    %sub3A_157 = vector.broadcast %sub3A_156 : i32 to vector<16xi32>
    %sub3A_158 = arith.subi %get3A_149, %sub3A_157 : vector<16xi32>
    %jit3A_159 = arith.constant 0 : i32
    %jit3A_160 = arith.constant 32767 : i32
    %max3A_161 = vector.broadcast %jit3A_159 : i32 to vector<16xi32>
    %max3A_162 = arith.maxsi %max3A_161, %sub3A_158 : vector<16xi32>
    %min3A_163 = vector.broadcast %jit3A_160 : i32 to vector<16xi32>
    %min3A_164 = arith.minsi %min3A_163, %max3A_162 : vector<16xi32>
    %gather3A_165 = tpu.vector_load_idx %arg9[%min3A_155] : memref<32904xi32, #tpu.memory_space<vmem>>[vector<16xi32>], vector<16xi32>,
    %swap3A_166 = arith.constant 96 : index
    %swap3A_167 = tpu.vector_load %arg15[%swap3A_166] {strides = array<i32>} : memref<512xi32, #tpu.memory_space<vmem>>, vector<16xi32>,
    tpu.vector_store %arg15[%swap3A_166], %gather3A_165 {strides = array<i32>} : memref<512xi32, #tpu.memory_space<vmem>>, vector<16xi32>,
    %gather3A_168 = tpu.vector_load_idx %arg9[%min3A_164] : memref<32904xi32, #tpu.memory_space<vmem>>[vector<16xi32>], vector<16xi32>,
    %swap3A_169 = arith.constant 352 : index
    %swap3A_170 = tpu.vector_load %arg15[%swap3A_169] {strides = array<i32>} : memref<512xi32, #tpu.memory_space<vmem>>, vector<16xi32>,
    tpu.vector_store %arg15[%swap3A_169], %gather3A_168 {strides = array<i32>} : memref<512xi32, #tpu.memory_space<vmem>>, vector<16xi32>,
    %get3A_171 = arith.constant 112 : index
    %get3A_172 = tpu.vector_load %arg10[%get3A_171] {strides = array<i32>} : memref<272xi32, #tpu.memory_space<vmem>>, vector<16xi32>,
    %get3A_173 = arith.constant 112 : index
    %get3A_174 = tpu.vector_load %arg11[%get3A_173] {strides = array<i32>} : memref<272xi32, #tpu.memory_space<vmem>>, vector<16xi32>,
    %jit3A_175 = arith.constant 0 : i32
    %jit3A_176 = arith.constant 32767 : i32
    %max3A_177 = vector.broadcast %jit3A_175 : i32 to vector<16xi32>
    %max3A_178 = arith.maxsi %max3A_177, %get3A_172 : vector<16xi32>
    %min3A_179 = vector.broadcast %jit3A_176 : i32 to vector<16xi32>
    %min3A_180 = arith.minsi %min3A_179, %max3A_178 : vector<16xi32>
    %sub3A_181 = arith.constant 1 : i32
    %sub3A_182 = vector.broadcast %sub3A_181 : i32 to vector<16xi32>
    %sub3A_183 = arith.subi %get3A_174, %sub3A_182 : vector<16xi32>
    %jit3A_184 = arith.constant 0 : i32
    %jit3A_185 = arith.constant 32767 : i32
    %max3A_186 = vector.broadcast %jit3A_184 : i32 to vector<16xi32>
    %max3A_187 = arith.maxsi %max3A_186, %sub3A_183 : vector<16xi32>
    %min3A_188 = vector.broadcast %jit3A_185 : i32 to vector<16xi32>
    %min3A_189 = arith.minsi %min3A_188, %max3A_187 : vector<16xi32>
    %gather3A_190 = tpu.vector_load_idx %arg9[%min3A_180] : memref<32904xi32, #tpu.memory_space<vmem>>[vector<16xi32>], vector<16xi32>,
    %swap3A_191 = arith.constant 112 : index
    %swap3A_192 = tpu.vector_load %arg15[%swap3A_191] {strides = array<i32>} : memref<512xi32, #tpu.memory_space<vmem>>, vector<16xi32>,
    tpu.vector_store %arg15[%swap3A_191], %gather3A_190 {strides = array<i32>} : memref<512xi32, #tpu.memory_space<vmem>>, vector<16xi32>,
    %gather3A_193 = tpu.vector_load_idx %arg9[%min3A_189] : memref<32904xi32, #tpu.memory_space<vmem>>[vector<16xi32>], vector<16xi32>,
    %swap3A_194 = arith.constant 368 : index
    %swap3A_195 = tpu.vector_load %arg15[%swap3A_194] {strides = array<i32>} : memref<512xi32, #tpu.memory_space<vmem>>, vector<16xi32>,
    tpu.vector_store %arg15[%swap3A_194], %gather3A_193 {strides = array<i32>} : memref<512xi32, #tpu.memory_space<vmem>>, vector<16xi32>,
    %get3A_196 = arith.constant 128 : index
    %get3A_197 = tpu.vector_load %arg10[%get3A_196] {strides = array<i32>} : memref<272xi32, #tpu.memory_space<vmem>>, vector<16xi32>,
    %get3A_198 = arith.constant 128 : index
    %get3A_199 = tpu.vector_load %arg11[%get3A_198] {strides = array<i32>} : memref<272xi32, #tpu.memory_space<vmem>>, vector<16xi32>,
    %jit3A_200 = arith.constant 0 : i32
    %jit3A_201 = arith.constant 32767 : i32
    %max3A_202 = vector.broadcast %jit3A_200 : i32 to vector<16xi32>
    %max3A_203 = arith.maxsi %max3A_202, %get3A_197 : vector<16xi32>
    %min3A_204 = vector.broadcast %jit3A_201 : i32 to vector<16xi32>
    %min3A_205 = arith.minsi %min3A_204, %max3A_203 : vector<16xi32>
    %sub3A_206 = arith.constant 1 : i32
    %sub3A_207 = vector.broadcast %sub3A_206 : i32 to vector<16xi32>
    %sub3A_208 = arith.subi %get3A_199, %sub3A_207 : vector<16xi32>
    %jit3A_209 = arith.constant 0 : i32
    %jit3A_210 = arith.constant 32767 : i32
    %max3A_211 = vector.broadcast %jit3A_209 : i32 to vector<16xi32>
    %max3A_212 = arith.maxsi %max3A_211, %sub3A_208 : vector<16xi32>
    %min3A_213 = vector.broadcast %jit3A_210 : i32 to vector<16xi32>
    %min3A_214 = arith.minsi %min3A_213, %max3A_212 : vector<16xi32>
    %gather3A_215 = tpu.vector_load_idx %arg9[%min3A_205] : memref<32904xi32, #tpu.memory_space<vmem>>[vector<16xi32>], vector<16xi32>,
    %swap3A_216 = arith.constant 128 : index
    %swap3A_217 = tpu.vector_load %arg15[%swap3A_216] {strides = array<i32>} : memref<512xi32, #tpu.memory_space<vmem>>, vector<16xi32>,
    tpu.vector_store %arg15[%swap3A_216], %gather3A_215 {strides = array<i32>} : memref<512xi32, #tpu.memory_space<vmem>>, vector<16xi32>,
    %gather3A_218 = tpu.vector_load_idx %arg9[%min3A_214] : memref<32904xi32, #tpu.memory_space<vmem>>[vector<16xi32>], vector<16xi32>,
    %swap3A_219 = arith.constant 384 : index
    %swap3A_220 = tpu.vector_load %arg15[%swap3A_219] {strides = array<i32>} : memref<512xi32, #tpu.memory_space<vmem>>, vector<16xi32>,
    tpu.vector_store %arg15[%swap3A_219], %gather3A_218 {strides = array<i32>} : memref<512xi32, #tpu.memory_space<vmem>>, vector<16xi32>,
    %get3A_221 = arith.constant 144 : index
    %get3A_222 = tpu.vector_load %arg10[%get3A_221] {strides = array<i32>} : memref<272xi32, #tpu.memory_space<vmem>>, vector<16xi32>,
    %get3A_223 = arith.constant 144 : index
    %get3A_224 = tpu.vector_load %arg11[%get3A_223] {strides = array<i32>} : memref<272xi32, #tpu.memory_space<vmem>>, vector<16xi32>,
    %jit3A_225 = arith.constant 0 : i32
    %jit3A_226 = arith.constant 32767 : i32
    %max3A_227 = vector.broadcast %jit3A_225 : i32 to vector<16xi32>
    %max3A_228 = arith.maxsi %max3A_227, %get3A_222 : vector<16xi32>
    %min3A_229 = vector.broadcast %jit3A_226 : i32 to vector<16xi32>
    %min3A_230 = arith.minsi %min3A_229, %max3A_228 : vector<16xi32>
    %sub3A_231 = arith.constant 1 : i32
    %sub3A_232 = vector.broadcast %sub3A_231 : i32 to vector<16xi32>
    %sub3A_233 = arith.subi %get3A_224, %sub3A_232 : vector<16xi32>
    %jit3A_234 = arith.constant 0 : i32
    %jit3A_235 = arith.constant 32767 : i32
    %max3A_236 = vector.broadcast %jit3A_234 : i32 to vector<16xi32>
    %max3A_237 = arith.maxsi %max3A_236, %sub3A_233 : vector<16xi32>
    %min3A_238 = vector.broadcast %jit3A_235 : i32 to vector<16xi32>
    %min3A_239 = arith.minsi %min3A_238, %max3A_237 : vector<16xi32>
    %gather3A_240 = tpu.vector_load_idx %arg9[%min3A_230] : memref<32904xi32, #tpu.memory_space<vmem>>[vector<16xi32>], vector<16xi32>,
    %swap3A_241 = arith.constant 144 : index
    %swap3A_242 = tpu.vector_load %arg15[%swap3A_241] {strides = array<i32>} : memref<512xi32, #tpu.memory_space<vmem>>, vector<16xi32>,
    tpu.vector_store %arg15[%swap3A_241], %gather3A_240 {strides = array<i32>} : memref<512xi32, #tpu.memory_space<vmem>>, vector<16xi32>,
    %gather3A_243 = tpu.vector_load_idx %arg9[%min3A_239] : memref<32904xi32, #tpu.memory_space<vmem>>[vector<16xi32>], vector<16xi32>,
    %swap3A_244 = arith.constant 400 : index
    %swap3A_245 = tpu.vector_load %arg15[%swap3A_244] {strides = array<i32>} : memref<512xi32, #tpu.memory_space<vmem>>, vector<16xi32>,
    tpu.vector_store %arg15[%swap3A_244], %gather3A_243 {strides = array<i32>} : memref<512xi32, #tpu.memory_space<vmem>>, vector<16xi32>,
    %get3A_246 = arith.constant 160 : index
    %get3A_247 = tpu.vector_load %arg10[%get3A_246] {strides = array<i32>} : memref<272xi32, #tpu.memory_space<vmem>>, vector<16xi32>,
    %get3A_248 = arith.constant 160 : index
    %get3A_249 = tpu.vector_load %arg11[%get3A_248] {strides = array<i32>} : memref<272xi32, #tpu.memory_space<vmem>>, vector<16xi32>,
    %jit3A_250 = arith.constant 0 : i32
    %jit3A_251 = arith.constant 32767 : i32
    %max3A_252 = vector.broadcast %jit3A_250 : i32 to vector<16xi32>
    %max3A_253 = arith.maxsi %max3A_252, %get3A_247 : vector<16xi32>
    %min3A_254 = vector.broadcast %jit3A_251 : i32 to vector<16xi32>
    %min3A_255 = arith.minsi %min3A_254, %max3A_253 : vector<16xi32>
    %sub3A_256 = arith.constant 1 : i32
    %sub3A_257 = vector.broadcast %sub3A_256 : i32 to vector<16xi32>
    %sub3A_258 = arith.subi %get3A_249, %sub3A_257 : vector<16xi32>
    %jit3A_259 = arith.constant 0 : i32
    %jit3A_260 = arith.constant 32767 : i32
    %max3A_261 = vector.broadcast %jit3A_259 : i32 to vector<16xi32>
    %max3A_262 = arith.maxsi %max3A_261, %sub3A_258 : vector<16xi32>
    %min3A_263 = vector.broadcast %jit3A_260 : i32 to vector<16xi32>
    %min3A_264 = arith.minsi %min3A_263, %max3A_262 : vector<16xi32>
    %gather3A_265 = tpu.vector_load_idx %arg9[%min3A_255] : memref<32904xi32, #tpu.memory_space<vmem>>[vector<16xi32>], vector<16xi32>,
    %swap3A_266 = arith.constant 160 : index
    %swap3A_267 = tpu.vector_load %arg15[%swap3A_266] {strides = array<i32>} : memref<512xi32, #tpu.memory_space<vmem>>, vector<16xi32>,
    tpu.vector_store %arg15[%swap3A_266], %gather3A_265 {strides = array<i32>} : memref<512xi32, #tpu.memory_space<vmem>>, vector<16xi32>,
    %gather3A_268 = tpu.vector_load_idx %arg9[%min3A_264] : memref<32904xi32, #tpu.memory_space<vmem>>[vector<16xi32>], vector<16xi32>,
    %swap3A_269 = arith.constant 416 : index
    %swap3A_270 = tpu.vector_load %arg15[%swap3A_269] {strides = array<i32>} : memref<512xi32, #tpu.memory_space<vmem>>, vector<16xi32>,
    tpu.vector_store %arg15[%swap3A_269], %gather3A_268 {strides = array<i32>} : memref<512xi32, #tpu.memory_space<vmem>>, vector<16xi32>,
    %get3A_271 = arith.constant 176 : index
    %get3A_272 = tpu.vector_load %arg10[%get3A_271] {strides = array<i32>} : memref<272xi32, #tpu.memory_space<vmem>>, vector<16xi32>,
    %get3A_273 = arith.constant 176 : index
    %get3A_274 = tpu.vector_load %arg11[%get3A_273] {strides = array<i32>} : memref<272xi32, #tpu.memory_space<vmem>>, vector<16xi32>,
    %jit3A_275 = arith.constant 0 : i32
    %jit3A_276 = arith.constant 32767 : i32
    %max3A_277 = vector.broadcast %jit3A_275 : i32 to vector<16xi32>
    %max3A_278 = arith.maxsi %max3A_277, %get3A_272 : vector<16xi32>
    %min3A_279 = vector.broadcast %jit3A_276 : i32 to vector<16xi32>
    %min3A_280 = arith.minsi %min3A_279, %max3A_278 : vector<16xi32>
    %sub3A_281 = arith.constant 1 : i32
    %sub3A_282 = vector.broadcast %sub3A_281 : i32 to vector<16xi32>
    %sub3A_283 = arith.subi %get3A_274, %sub3A_282 : vector<16xi32>
    %jit3A_284 = arith.constant 0 : i32
    %jit3A_285 = arith.constant 32767 : i32
    %max3A_286 = vector.broadcast %jit3A_284 : i32 to vector<16xi32>
    %max3A_287 = arith.maxsi %max3A_286, %sub3A_283 : vector<16xi32>
    %min3A_288 = vector.broadcast %jit3A_285 : i32 to vector<16xi32>
    %min3A_289 = arith.minsi %min3A_288, %max3A_287 : vector<16xi32>
    %gather3A_290 = tpu.vector_load_idx %arg9[%min3A_280] : memref<32904xi32, #tpu.memory_space<vmem>>[vector<16xi32>], vector<16xi32>,
    %swap3A_291 = arith.constant 176 : index
    %swap3A_292 = tpu.vector_load %arg15[%swap3A_291] {strides = array<i32>} : memref<512xi32, #tpu.memory_space<vmem>>, vector<16xi32>,
    tpu.vector_store %arg15[%swap3A_291], %gather3A_290 {strides = array<i32>} : memref<512xi32, #tpu.memory_space<vmem>>, vector<16xi32>,
    %gather3A_293 = tpu.vector_load_idx %arg9[%min3A_289] : memref<32904xi32, #tpu.memory_space<vmem>>[vector<16xi32>], vector<16xi32>,
    %swap3A_294 = arith.constant 432 : index
    %swap3A_295 = tpu.vector_load %arg15[%swap3A_294] {strides = array<i32>} : memref<512xi32, #tpu.memory_space<vmem>>, vector<16xi32>,
    tpu.vector_store %arg15[%swap3A_294], %gather3A_293 {strides = array<i32>} : memref<512xi32, #tpu.memory_space<vmem>>, vector<16xi32>,
    %get3A_296 = arith.constant 192 : index
    %get3A_297 = tpu.vector_load %arg10[%get3A_296] {strides = array<i32>} : memref<272xi32, #tpu.memory_space<vmem>>, vector<16xi32>,
    %get3A_298 = arith.constant 192 : index
    %get3A_299 = tpu.vector_load %arg11[%get3A_298] {strides = array<i32>} : memref<272xi32, #tpu.memory_space<vmem>>, vector<16xi32>,
    %jit3A_300 = arith.constant 0 : i32
    %jit3A_301 = arith.constant 32767 : i32
    %max3A_302 = vector.broadcast %jit3A_300 : i32 to vector<16xi32>
    %max3A_303 = arith.maxsi %max3A_302, %get3A_297 : vector<16xi32>
    %min3A_304 = vector.broadcast %jit3A_301 : i32 to vector<16xi32>
    %min3A_305 = arith.minsi %min3A_304, %max3A_303 : vector<16xi32>
    %sub3A_306 = arith.constant 1 : i32
    %sub3A_307 = vector.broadcast %sub3A_306 : i32 to vector<16xi32>
    %sub3A_308 = arith.subi %get3A_299, %sub3A_307 : vector<16xi32>
    %jit3A_309 = arith.constant 0 : i32
    %jit3A_310 = arith.constant 32767 : i32
    %max3A_311 = vector.broadcast %jit3A_309 : i32 to vector<16xi32>
    %max3A_312 = arith.maxsi %max3A_311, %sub3A_308 : vector<16xi32>
    %min3A_313 = vector.broadcast %jit3A_310 : i32 to vector<16xi32>
    %min3A_314 = arith.minsi %min3A_313, %max3A_312 : vector<16xi32>
    %gather3A_315 = tpu.vector_load_idx %arg9[%min3A_305] : memref<32904xi32, #tpu.memory_space<vmem>>[vector<16xi32>], vector<16xi32>,
    %swap3A_316 = arith.constant 192 : index
    %swap3A_317 = tpu.vector_load %arg15[%swap3A_316] {strides = array<i32>} : memref<512xi32, #tpu.memory_space<vmem>>, vector<16xi32>,
    tpu.vector_store %arg15[%swap3A_316], %gather3A_315 {strides = array<i32>} : memref<512xi32, #tpu.memory_space<vmem>>, vector<16xi32>,
    %gather3A_318 = tpu.vector_load_idx %arg9[%min3A_314] : memref<32904xi32, #tpu.memory_space<vmem>>[vector<16xi32>], vector<16xi32>,
    %swap3A_319 = arith.constant 448 : index
    %swap3A_320 = tpu.vector_load %arg15[%swap3A_319] {strides = array<i32>} : memref<512xi32, #tpu.memory_space<vmem>>, vector<16xi32>,
    tpu.vector_store %arg15[%swap3A_319], %gather3A_318 {strides = array<i32>} : memref<512xi32, #tpu.memory_space<vmem>>, vector<16xi32>,
    %get3A_321 = arith.constant 208 : index
    %get3A_322 = tpu.vector_load %arg10[%get3A_321] {strides = array<i32>} : memref<272xi32, #tpu.memory_space<vmem>>, vector<16xi32>,
    %get3A_323 = arith.constant 208 : index
    %get3A_324 = tpu.vector_load %arg11[%get3A_323] {strides = array<i32>} : memref<272xi32, #tpu.memory_space<vmem>>, vector<16xi32>,
    %jit3A_325 = arith.constant 0 : i32
    %jit3A_326 = arith.constant 32767 : i32
    %max3A_327 = vector.broadcast %jit3A_325 : i32 to vector<16xi32>
    %max3A_328 = arith.maxsi %max3A_327, %get3A_322 : vector<16xi32>
    %min3A_329 = vector.broadcast %jit3A_326 : i32 to vector<16xi32>
    %min3A_330 = arith.minsi %min3A_329, %max3A_328 : vector<16xi32>
    %sub3A_331 = arith.constant 1 : i32
    %sub3A_332 = vector.broadcast %sub3A_331 : i32 to vector<16xi32>
    %sub3A_333 = arith.subi %get3A_324, %sub3A_332 : vector<16xi32>
    %jit3A_334 = arith.constant 0 : i32
    %jit3A_335 = arith.constant 32767 : i32
    %max3A_336 = vector.broadcast %jit3A_334 : i32 to vector<16xi32>
    %max3A_337 = arith.maxsi %max3A_336, %sub3A_333 : vector<16xi32>
    %min3A_338 = vector.broadcast %jit3A_335 : i32 to vector<16xi32>
    %min3A_339 = arith.minsi %min3A_338, %max3A_337 : vector<16xi32>
    %gather3A_340 = tpu.vector_load_idx %arg9[%min3A_330] : memref<32904xi32, #tpu.memory_space<vmem>>[vector<16xi32>], vector<16xi32>,
    %swap3A_341 = arith.constant 208 : index
    %swap3A_342 = tpu.vector_load %arg15[%swap3A_341] {strides = array<i32>} : memref<512xi32, #tpu.memory_space<vmem>>, vector<16xi32>,
    tpu.vector_store %arg15[%swap3A_341], %gather3A_340 {strides = array<i32>} : memref<512xi32, #tpu.memory_space<vmem>>, vector<16xi32>,
    %gather3A_343 = tpu.vector_load_idx %arg9[%min3A_339] : memref<32904xi32, #tpu.memory_space<vmem>>[vector<16xi32>], vector<16xi32>,
    %swap3A_344 = arith.constant 464 : index
    %swap3A_345 = tpu.vector_load %arg15[%swap3A_344] {strides = array<i32>} : memref<512xi32, #tpu.memory_space<vmem>>, vector<16xi32>,
    tpu.vector_store %arg15[%swap3A_344], %gather3A_343 {strides = array<i32>} : memref<512xi32, #tpu.memory_space<vmem>>, vector<16xi32>,
    %get3A_346 = arith.constant 224 : index
    %get3A_347 = tpu.vector_load %arg10[%get3A_346] {strides = array<i32>} : memref<272xi32, #tpu.memory_space<vmem>>, vector<16xi32>,
    %get3A_348 = arith.constant 224 : index
    %get3A_349 = tpu.vector_load %arg11[%get3A_348] {strides = array<i32>} : memref<272xi32, #tpu.memory_space<vmem>>, vector<16xi32>,
    %jit3A_350 = arith.constant 0 : i32
    %jit3A_351 = arith.constant 32767 : i32
    %max3A_352 = vector.broadcast %jit3A_350 : i32 to vector<16xi32>
    %max3A_353 = arith.maxsi %max3A_352, %get3A_347 : vector<16xi32>
    %min3A_354 = vector.broadcast %jit3A_351 : i32 to vector<16xi32>
    %min3A_355 = arith.minsi %min3A_354, %max3A_353 : vector<16xi32>
    %sub3A_356 = arith.constant 1 : i32
    %sub3A_357 = vector.broadcast %sub3A_356 : i32 to vector<16xi32>
    %sub3A_358 = arith.subi %get3A_349, %sub3A_357 : vector<16xi32>
    %jit3A_359 = arith.constant 0 : i32
    %jit3A_360 = arith.constant 32767 : i32
    %max3A_361 = vector.broadcast %jit3A_359 : i32 to vector<16xi32>
    %max3A_362 = arith.maxsi %max3A_361, %sub3A_358 : vector<16xi32>
    %min3A_363 = vector.broadcast %jit3A_360 : i32 to vector<16xi32>
    %min3A_364 = arith.minsi %min3A_363, %max3A_362 : vector<16xi32>
    %gather3A_365 = tpu.vector_load_idx %arg9[%min3A_355] : memref<32904xi32, #tpu.memory_space<vmem>>[vector<16xi32>], vector<16xi32>,
    %swap3A_366 = arith.constant 224 : index
    %swap3A_367 = tpu.vector_load %arg15[%swap3A_366] {strides = array<i32>} : memref<512xi32, #tpu.memory_space<vmem>>, vector<16xi32>,
    tpu.vector_store %arg15[%swap3A_366], %gather3A_365 {strides = array<i32>} : memref<512xi32, #tpu.memory_space<vmem>>, vector<16xi32>,
    %gather3A_368 = tpu.vector_load_idx %arg9[%min3A_364] : memref<32904xi32, #tpu.memory_space<vmem>>[vector<16xi32>], vector<16xi32>,
    %swap3A_369 = arith.constant 480 : index
    %swap3A_370 = tpu.vector_load %arg15[%swap3A_369] {strides = array<i32>} : memref<512xi32, #tpu.memory_space<vmem>>, vector<16xi32>,
    tpu.vector_store %arg15[%swap3A_369], %gather3A_368 {strides = array<i32>} : memref<512xi32, #tpu.memory_space<vmem>>, vector<16xi32>,
    %get3A_371 = arith.constant 240 : index
    %get3A_372 = tpu.vector_load %arg10[%get3A_371] {strides = array<i32>} : memref<272xi32, #tpu.memory_space<vmem>>, vector<16xi32>,
    %get3A_373 = arith.constant 240 : index
    %get3A_374 = tpu.vector_load %arg11[%get3A_373] {strides = array<i32>} : memref<272xi32, #tpu.memory_space<vmem>>, vector<16xi32>,
    %jit3A_375 = arith.constant 0 : i32
    %jit3A_376 = arith.constant 32767 : i32
    %max3A_377 = vector.broadcast %jit3A_375 : i32 to vector<16xi32>
    %max3A_378 = arith.maxsi %max3A_377, %get3A_372 : vector<16xi32>
    %min3A_379 = vector.broadcast %jit3A_376 : i32 to vector<16xi32>
    %min3A_380 = arith.minsi %min3A_379, %max3A_378 : vector<16xi32>
    %sub3A_381 = arith.constant 1 : i32
    %sub3A_382 = vector.broadcast %sub3A_381 : i32 to vector<16xi32>
    %sub3A_383 = arith.subi %get3A_374, %sub3A_382 : vector<16xi32>
    %jit3A_384 = arith.constant 0 : i32
    %jit3A_385 = arith.constant 32767 : i32
    %max3A_386 = vector.broadcast %jit3A_384 : i32 to vector<16xi32>
    %max3A_387 = arith.maxsi %max3A_386, %sub3A_383 : vector<16xi32>
    %min3A_388 = vector.broadcast %jit3A_385 : i32 to vector<16xi32>
    %min3A_389 = arith.minsi %min3A_388, %max3A_387 : vector<16xi32>
    %gather3A_390 = tpu.vector_load_idx %arg9[%min3A_380] : memref<32904xi32, #tpu.memory_space<vmem>>[vector<16xi32>], vector<16xi32>,
    %swap3A_391 = arith.constant 240 : index
    %swap3A_392 = tpu.vector_load %arg15[%swap3A_391] {strides = array<i32>} : memref<512xi32, #tpu.memory_space<vmem>>, vector<16xi32>,
    tpu.vector_store %arg15[%swap3A_391], %gather3A_390 {strides = array<i32>} : memref<512xi32, #tpu.memory_space<vmem>>, vector<16xi32>,
    %gather3A_393 = tpu.vector_load_idx %arg9[%min3A_389] : memref<32904xi32, #tpu.memory_space<vmem>>[vector<16xi32>], vector<16xi32>,
    %swap3A_394 = arith.constant 496 : index
    %swap3A_395 = tpu.vector_load %arg15[%swap3A_394] {strides = array<i32>} : memref<512xi32, #tpu.memory_space<vmem>>, vector<16xi32>,
    tpu.vector_store %arg15[%swap3A_394], %gather3A_393 {strides = array<i32>} : memref<512xi32, #tpu.memory_space<vmem>>, vector<16xi32>,
    "tpu.region"() ({
      %run_scoped3A = tpu.sem_alloc : memref<!tpu.dma_semaphore, #tpu.memory_space<semaphore_mem>>
      %dma_start3A = arith.constant 0 : i32
      %dma_start3A_488 = tpu.memref_slice %arg15[%dma_start3A] : memref<512xi32, #tpu.memory_space<vmem>> -> memref<256xi32, #tpu.memory_space<vmem>>
      %dma_start3A_489 = tpu.memref_slice %arg7[%multiple_of3A] : memref<8192xi32, #tpu.memory_space<hbm>> -> memref<256xi32, #tpu.memory_space<hbm>>
      %dma_start3A_490 = tpu.memref_slice %arg7[%multiple_of3A] : memref<8192xi32, #tpu.memory_space<hbm>> -> memref<256xi32, #tpu.memory_space<hbm>>
      %dma_start3A_491 = arith.constant 0 : i32
      %dma_start3A_492 = tpu.memref_slice %arg15[%dma_start3A_491] : memref<512xi32, #tpu.memory_space<vmem>> -> memref<256xi32, #tpu.memory_space<vmem>>
      tpu.enqueue_dma source(%dma_start3A_492 : memref<256xi32, #tpu.memory_space<vmem>>) target(%dma_start3A_490 : memref<256xi32, #tpu.memory_space<hbm>>) target_semaphore(%run_scoped3A : memref<!tpu.dma_semaphore, #tpu.memory_space<semaphore_mem>>)
      %dma_wait3A = arith.constant 0 : i32
      %dma_wait3A_493 = tpu.memref_slice %arg15[%dma_wait3A] : memref<512xi32, #tpu.memory_space<vmem>> -> memref<256xi32, #tpu.memory_space<vmem>>
      %dma_wait3A_494 = tpu.memref_slice %arg7[%multiple_of3A] : memref<8192xi32, #tpu.memory_space<hbm>> -> memref<256xi32, #tpu.memory_space<hbm>>
      %dma_wait3A_495 = tpu.memref_slice %arg7[%multiple_of3A] : memref<8192xi32, #tpu.memory_space<hbm>> -> memref<256xi32, #tpu.memory_space<hbm>>
      %dma_wait3A_496 = arith.constant 0 : i32
      %dma_wait3A_497 = tpu.memref_slice %arg15[%dma_wait3A_496] : memref<512xi32, #tpu.memory_space<vmem>> -> memref<256xi32, #tpu.memory_space<vmem>>
      tpu.wait_dma2 semaphore(%run_scoped3A : memref<!tpu.dma_semaphore, #tpu.memory_space<semaphore_mem>>) src(%dma_wait3A_497 : memref<256xi32, #tpu.memory_space<vmem>>) dst(%dma_wait3A_495 : memref<256xi32, #tpu.memory_space<hbm>>)
      tpu.yield
    }) : () -> ()
    "tpu.region"() ({
      %run_scoped3A = tpu.sem_alloc : memref<!tpu.dma_semaphore, #tpu.memory_space<semaphore_mem>>
      %dma_start3A = arith.constant 256 : i32
      %dma_start3A_488 = tpu.memref_slice %arg15[%dma_start3A] : memref<512xi32, #tpu.memory_space<vmem>> -> memref<256xi32, #tpu.memory_space<vmem>>
      %dma_start3A_489 = tpu.memref_slice %arg8[%multiple_of3A] : memref<8192xi32, #tpu.memory_space<hbm>> -> memref<256xi32, #tpu.memory_space<hbm>>
      %dma_start3A_490 = tpu.memref_slice %arg8[%multiple_of3A] : memref<8192xi32, #tpu.memory_space<hbm>> -> memref<256xi32, #tpu.memory_space<hbm>>
      %dma_start3A_491 = arith.constant 256 : i32
      %dma_start3A_492 = tpu.memref_slice %arg15[%dma_start3A_491] : memref<512xi32, #tpu.memory_space<vmem>> -> memref<256xi32, #tpu.memory_space<vmem>>
      tpu.enqueue_dma source(%dma_start3A_492 : memref<256xi32, #tpu.memory_space<vmem>>) target(%dma_start3A_490 : memref<256xi32, #tpu.memory_space<hbm>>) target_semaphore(%run_scoped3A : memref<!tpu.dma_semaphore, #tpu.memory_space<semaphore_mem>>)
      %dma_wait3A = arith.constant 256 : i32
      %dma_wait3A_493 = tpu.memref_slice %arg15[%dma_wait3A] : memref<512xi32, #tpu.memory_space<vmem>> -> memref<256xi32, #tpu.memory_space<vmem>>
      %dma_wait3A_494 = tpu.memref_slice %arg8[%multiple_of3A] : memref<8192xi32, #tpu.memory_space<hbm>> -> memref<256xi32, #tpu.memory_space<hbm>>
      %dma_wait3A_495 = tpu.memref_slice %arg8[%multiple_of3A] : memref<8192xi32, #tpu.memory_space<hbm>> -> memref<256xi32, #tpu.memory_space<hbm>>
      %dma_wait3A_496 = arith.constant 256 : i32
      %dma_wait3A_497 = tpu.memref_slice %arg15[%dma_wait3A_496] : memref<512xi32, #tpu.memory_space<vmem>> -> memref<256xi32, #tpu.memory_space<vmem>>
      tpu.wait_dma2 semaphore(%run_scoped3A : memref<!tpu.dma_semaphore, #tpu.memory_space<semaphore_mem>>) src(%dma_wait3A_497 : memref<256xi32, #tpu.memory_space<vmem>>) dst(%dma_wait3A_495 : memref<256xi32, #tpu.memory_space<hbm>>)
      tpu.yield
    }) : () -> ()
    %broadcast_in_dim3A = arith.constant 1.000000e+00 : f32
    %broadcast_in_dim3A_396 = vector.broadcast %broadcast_in_dim3A : f32 to vector<16xf32>
    %broadcast_in_dim3A_397 = arith.constant 0.000000e+00 : f32
    %broadcast_in_dim3A_398 = vector.broadcast %broadcast_in_dim3A_397 : f32 to vector<16xf32>
    %scan3A = arith.constant 0 : i32
    %scan3A_399 = arith.constant 0 : i32
    %scan3A_400 = arith.constant 256 : i32
    %scan3A_401 = arith.addi %scan3A_399, %scan3A_400 : i32
    %scan3A_402 = arith.constant 1 : i32
    %scan3A_403 = scf.for %scan3A_488 = %scan3A_399 to %scan3A_401 step %scan3A_402 iter_args(%scan3A_489 = %scan3A) -> (i32)  : i32 {
      %swap3A_490 = arith.index_cast %scan3A_488 : i32 to index
      %swap3A_491 = arith.constant 0 : index
      %swap3A_492 = tpu.vector_load %arg14[%swap3A_490, %swap3A_491] {strides = array<i32>} : memref<256x128xf32, #tpu.memory_space<vmem>>, vector<16xf32>,
      tpu.vector_store %arg14[%swap3A_490, %swap3A_491], %broadcast_in_dim3A_396 {strides = array<i32>} : memref<256x128xf32, #tpu.memory_space<vmem>>, vector<16xf32>,
      %swap3A_493 = arith.index_cast %scan3A_488 : i32 to index
      %swap3A_494 = arith.constant 16 : index
      %swap3A_495 = tpu.vector_load %arg14[%swap3A_493, %swap3A_494] {strides = array<i32>} : memref<256x128xf32, #tpu.memory_space<vmem>>, vector<16xf32>,
      tpu.vector_store %arg14[%swap3A_493, %swap3A_494], %broadcast_in_dim3A_396 {strides = array<i32>} : memref<256x128xf32, #tpu.memory_space<vmem>>, vector<16xf32>,
      %swap3A_496 = arith.index_cast %scan3A_488 : i32 to index
      %swap3A_497 = arith.constant 32 : index
      %swap3A_498 = tpu.vector_load %arg14[%swap3A_496, %swap3A_497] {strides = array<i32>} : memref<256x128xf32, #tpu.memory_space<vmem>>, vector<16xf32>,
      tpu.vector_store %arg14[%swap3A_496, %swap3A_497], %broadcast_in_dim3A_396 {strides = array<i32>} : memref<256x128xf32, #tpu.memory_space<vmem>>, vector<16xf32>,
      %swap3A_499 = arith.index_cast %scan3A_488 : i32 to index
      %swap3A_500 = arith.constant 48 : index
      %swap3A_501 = tpu.vector_load %arg14[%swap3A_499, %swap3A_500] {strides = array<i32>} : memref<256x128xf32, #tpu.memory_space<vmem>>, vector<16xf32>,
      tpu.vector_store %arg14[%swap3A_499, %swap3A_500], %broadcast_in_dim3A_398 {strides = array<i32>} : memref<256x128xf32, #tpu.memory_space<vmem>>, vector<16xf32>,
      %swap3A_502 = arith.index_cast %scan3A_488 : i32 to index
      %swap3A_503 = arith.constant 64 : index
      %swap3A_504 = tpu.vector_load %arg14[%swap3A_502, %swap3A_503] {strides = array<i32>} : memref<256x128xf32, #tpu.memory_space<vmem>>, vector<16xf32>,
      tpu.vector_store %arg14[%swap3A_502, %swap3A_503], %broadcast_in_dim3A_398 {strides = array<i32>} : memref<256x128xf32, #tpu.memory_space<vmem>>, vector<16xf32>,
      %swap3A_505 = arith.index_cast %scan3A_488 : i32 to index
      %swap3A_506 = arith.constant 80 : index
      %swap3A_507 = tpu.vector_load %arg14[%swap3A_505, %swap3A_506] {strides = array<i32>} : memref<256x128xf32, #tpu.memory_space<vmem>>, vector<16xf32>,
      tpu.vector_store %arg14[%swap3A_505, %swap3A_506], %broadcast_in_dim3A_398 {strides = array<i32>} : memref<256x128xf32, #tpu.memory_space<vmem>>, vector<16xf32>,
      %swap3A_508 = arith.index_cast %scan3A_488 : i32 to index
      %swap3A_509 = arith.constant 96 : index
      %swap3A_510 = tpu.vector_load %arg14[%swap3A_508, %swap3A_509] {strides = array<i32>} : memref<256x128xf32, #tpu.memory_space<vmem>>, vector<16xf32>,
      tpu.vector_store %arg14[%swap3A_508, %swap3A_509], %broadcast_in_dim3A_398 {strides = array<i32>} : memref<256x128xf32, #tpu.memory_space<vmem>>, vector<16xf32>,
      %swap3A_511 = arith.index_cast %scan3A_488 : i32 to index
      %swap3A_512 = arith.constant 112 : index
      %swap3A_513 = tpu.vector_load %arg14[%swap3A_511, %swap3A_512] {strides = array<i32>} : memref<256x128xf32, #tpu.memory_space<vmem>>, vector<16xf32>,
      tpu.vector_store %arg14[%swap3A_511, %swap3A_512], %broadcast_in_dim3A_398 {strides = array<i32>} : memref<256x128xf32, #tpu.memory_space<vmem>>, vector<16xf32>,
      %scan3A_514 = arith.constant 0 : i32
      scf.yield %scan3A_514 : i32
    }
    %scan3A_404 = arith.constant 256 : i32
    %get3A_405 = arith.constant 0 : index
    %get3A_406 = tpu.vector_load %arg10[%get3A_405] {strides = array<i32>} : memref<272xi32, #tpu.memory_space<vmem>>, vector<16xi32>,
    %slice3A = vector.extract_strided_slice %get3A_406 {offsets = [0], sizes = [1], strides = [1]} : vector<16xi32> to vector<1xi32>
    %squeeze3A = vector.extract %slice3A[0] : i32 from vector<1xi32>
    %get3A_407 = arith.constant 256 : index
    %get3A_408 = tpu.vector_load %arg10[%get3A_407] {strides = array<i32>} : memref<272xi32, #tpu.memory_space<vmem>>, vector<16xi32>,
    %slice3A_409 = vector.extract_strided_slice %get3A_408 {offsets = [0], sizes = [1], strides = [1]} : vector<16xi32> to vector<1xi32>
    %squeeze3A_410 = vector.extract %slice3A_409[0] : i32 from vector<1xi32>
    %jit3A_411 = arith.constant 8 : i32
    %div3A = arith.divsi %squeeze3A, %jit3A_411 : i32
    %sign3A = arith.constant 0 : i32
    %sign3A_412 = arith.cmpi sgt, %squeeze3A, %sign3A : i32
    %sign3A_413 = arith.extui %sign3A_412 : i1 to i32
    %sign3A_414 = arith.constant 0 : i32
    %sign3A_415 = arith.cmpi slt, %squeeze3A, %sign3A_414 : i32
    %sign3A_416 = arith.extui %sign3A_415 : i1 to i32
    %sign3A_417 = arith.subi %sign3A_413, %sign3A_416 : i32
    %sign3A_418 = arith.constant 0 : i32
    %sign3A_419 = arith.cmpi sgt, %jit3A_411, %sign3A_418 : i32
    %sign3A_420 = arith.extui %sign3A_419 : i1 to i32
    %sign3A_421 = arith.constant 0 : i32
    %sign3A_422 = arith.cmpi slt, %jit3A_411, %sign3A_421 : i32
    %sign3A_423 = arith.extui %sign3A_422 : i1 to i32
    %sign3A_424 = arith.subi %sign3A_420, %sign3A_423 : i32
    %ne3A = arith.cmpi ne, %sign3A_417, %sign3A_424 : i32
    %rem3A = arith.remsi %squeeze3A, %jit3A_411 : i32
    %ne3A_425 = arith.constant 0 : i32
    %ne3A_426 = arith.cmpi ne, %rem3A, %ne3A_425 : i32
    %and3A = arith.andi %ne3A, %ne3A_426 : i1
    %sub3A_427 = arith.constant 1 : i32
    %sub3A_428 = arith.subi %div3A, %sub3A_427 : i32
    %select_n3A = arith.select %and3A, %sub3A_428, %div3A : i32
    %mul3A_429 = arith.constant 8 : i32
    %mul3A_430 = arith.muli %select_n3A, %mul3A_429 : i32
    %sub3A_431 = arith.subi %squeeze3A_410, %mul3A_430 : i32
    %add3A_432 = arith.constant 128 : i32
    %add3A_433 = arith.addi %sub3A_431, %add3A_432 : i32
    %sub3A_434 = arith.constant 1 : i32
    %sub3A_435 = arith.subi %add3A_433, %sub3A_434 : i32
    %jit3A_436 = arith.constant 128 : i32
    %div3A_437 = arith.divsi %sub3A_435, %jit3A_436 : i32
    %sign3A_438 = arith.constant 0 : i32
    %sign3A_439 = arith.cmpi sgt, %sub3A_435, %sign3A_438 : i32
    %sign3A_440 = arith.extui %sign3A_439 : i1 to i32
    %sign3A_441 = arith.constant 0 : i32
    %sign3A_442 = arith.cmpi slt, %sub3A_435, %sign3A_441 : i32
    %sign3A_443 = arith.extui %sign3A_442 : i1 to i32
    %sign3A_444 = arith.subi %sign3A_440, %sign3A_443 : i32
    %sign3A_445 = arith.constant 0 : i32
    %sign3A_446 = arith.cmpi sgt, %jit3A_436, %sign3A_445 : i32
    %sign3A_447 = arith.extui %sign3A_446 : i1 to i32
    %sign3A_448 = arith.constant 0 : i32
    %sign3A_449 = arith.cmpi slt, %jit3A_436, %sign3A_448 : i32
    %sign3A_450 = arith.extui %sign3A_449 : i1 to i32
    %sign3A_451 = arith.subi %sign3A_447, %sign3A_450 : i32
    %ne3A_452 = arith.cmpi ne, %sign3A_444, %sign3A_451 : i32
    %rem3A_453 = arith.remsi %sub3A_435, %jit3A_436 : i32
    %ne3A_454 = arith.constant 0 : i32
    %ne3A_455 = arith.cmpi ne, %rem3A_453, %ne3A_454 : i32
    %and3A_456 = arith.andi %ne3A_452, %ne3A_455 : i1
    %sub3A_457 = arith.constant 1 : i32
    %sub3A_458 = arith.subi %div3A_437, %sub3A_457 : i32
    %select_n3A_459 = arith.select %and3A_456, %sub3A_458, %div3A_437 : i32
    %gt3A = arith.constant 0 : i32
    %gt3A_460 = arith.cmpi sgt, %select_n3A_459, %gt3A : i32
    %convert_element_type3A = arith.extui %gt3A_460 : i1 to i32
    %cond3A = arith.constant 0 : i32
    %cond3A_461 = arith.cmpi ne, %convert_element_type3A, %cond3A : i32
    scf.if %cond3A_461 {
      %add3A_488 = arith.constant 0 : i32
      %add3A_489 = arith.addi %mul3A_430, %add3A_488 : i32
      %dma_start3A = tpu.memref_slice %arg9[%add3A_489] : memref<32904xi32, #tpu.memory_space<vmem>> -> memref<128xi32, #tpu.memory_space<vmem>>
      %dma_start3A_490 = arith.constant 0 : i32
      %dma_start3A_491 = arith.constant 0 : i32
      %dma_start3A_492 = tpu.memref_slice %arg2[%dma_start3A_490, %dma_start3A_491] : memref<50176x128xf32, #tpu.memory_space<hbm>> -> memref<50176x128xf32, #tpu.memory_space<hbm>>
      tpu.enqueue_indirect_dma source(%dma_start3A_492 : memref<50176x128xf32, #tpu.memory_space<hbm>>) target(%arg12 : memref<128x128xf32, #tpu.memory_space<vmem>>) offsets(%dma_start3A : memref<128xi32, #tpu.memory_space<vmem>>) semaphore(%arg17 : memref<!tpu.dma_semaphore, #tpu.memory_space<semaphore_mem>>)
    } else {
    }
    %gt3A_462 = arith.constant 1 : i32
    %gt3A_463 = arith.cmpi sgt, %select_n3A_459, %gt3A_462 : i32
    %convert_element_type3A_464 = arith.extui %gt3A_463 : i1 to i32
    %cond3A_465 = arith.constant 0 : i32
    %cond3A_466 = arith.cmpi ne, %convert_element_type3A_464, %cond3A_465 : i32
    scf.if %cond3A_466 {
      %add3A_488 = arith.constant 128 : i32
      %add3A_489 = arith.addi %mul3A_430, %add3A_488 : i32
      %dma_start3A = tpu.memref_slice %arg9[%add3A_489] : memref<32904xi32, #tpu.memory_space<vmem>> -> memref<128xi32, #tpu.memory_space<vmem>>
      %dma_start3A_490 = arith.constant 0 : i32
      %dma_start3A_491 = arith.constant 0 : i32
      %dma_start3A_492 = tpu.memref_slice %arg2[%dma_start3A_490, %dma_start3A_491] : memref<50176x128xf32, #tpu.memory_space<hbm>> -> memref<50176x128xf32, #tpu.memory_space<hbm>>
      tpu.enqueue_indirect_dma source(%dma_start3A_492 : memref<50176x128xf32, #tpu.memory_space<hbm>>) target(%arg13 : memref<128x128xf32, #tpu.memory_space<vmem>>) offsets(%dma_start3A : memref<128xi32, #tpu.memory_space<vmem>>) semaphore(%arg18 : memref<!tpu.dma_semaphore, #tpu.memory_space<semaphore_mem>>)
    } else {
    }
    %broadcast_in_dim3A_467 = arith.constant 1.000000e+00 : f32
    %broadcast_in_dim3A_468 = vector.broadcast %broadcast_in_dim3A_467 : f32 to vector<16xf32>
    %broadcast_in_dim3A_469 = arith.constant 0.000000e+00 : f32
    %broadcast_in_dim3A_470 = vector.broadcast %broadcast_in_dim3A_469 : f32 to vector<16xf32>
    %get3A_471 = arith.constant 1 : index
    %get3A_472 = tpu.vector_load %arg10[%get3A_471] {strides = array<i32>} : memref<272xi32, #tpu.memory_space<vmem>>, vector<16xi32>,
    %slice3A_473 = vector.extract_strided_slice %get3A_472 {offsets = [0], sizes = [1], strides = [1]} : vector<16xi32> to vector<1xi32>
    %squeeze3A_474 = vector.extract %slice3A_473[0] : i32 from vector<1xi32>
    %scan3A_475 = arith.constant 0 : i32
    %scan3A_476 = arith.constant 0 : i32
    %scan3A_477 = arith.constant 129 : i32
    %scan3A_478 = arith.addi %scan3A_476, %scan3A_477 : i32
    %scan3A_479 = arith.constant 1 : i32
    %scan3A_480:8 = scf.for %scan3A_488 = %scan3A_476 to %scan3A_478 step %scan3A_479 iter_args(%scan3A_489 = %scan3A_475, %scan3A_490 = %squeeze3A_474, %scan3A_491 = %broadcast_in_dim3A_468, %scan3A_492 = %broadcast_in_dim3A_468, %scan3A_493 = %broadcast_in_dim3A_468, %scan3A_494 = %broadcast_in_dim3A_470, %scan3A_495 = %broadcast_in_dim3A_470, %scan3A_496 = %broadcast_in_dim3A_470) -> (i32, i32, vector<16xf32>, vector<16xf32>, vector<16xf32>, vector<16xf32>, vector<16xf32>, vector<16xf32>)  : i32 {
      %mul3A_497 = arith.constant 2 : i32
      %mul3A_498 = arith.muli %scan3A_488, %mul3A_497 : i32
      %lt3A = arith.cmpi slt, %mul3A_498, %select_n3A_459 : i32
      %convert_element_type3A_499 = arith.extui %lt3A : i1 to i32
      %cond3A_500 = arith.constant 0 : i32
      %cond3A_501 = arith.cmpi ne, %convert_element_type3A_499, %cond3A_500 : i32
      %cond3A_502:8 = scf.if %cond3A_501 -> (i32, i32, vector<16xf32>, vector<16xf32>, vector<16xf32>, vector<16xf32>, vector<16xf32>, vector<16xf32>) {
        %mul3A_510 = arith.constant 128 : i32
        %mul3A_511 = arith.muli %mul3A_498, %mul3A_510 : i32
        %add3A_512 = arith.addi %mul3A_430, %mul3A_511 : i32
        %dma_wait3A = tpu.memref_slice %arg9[%add3A_512] : memref<32904xi32, #tpu.memory_space<vmem>> -> memref<128xi32, #tpu.memory_space<vmem>>
        %dma_wait3A_513 = arith.constant 0 : i32
        %dma_wait3A_514 = arith.constant 0 : i32
        %dma_wait3A_515 = tpu.memref_slice %arg2[%dma_wait3A_513, %dma_wait3A_514] : memref<50176x128xf32, #tpu.memory_space<hbm>> -> memref<50176x128xf32, #tpu.memory_space<hbm>>
        tpu.wait_indirect_dma semaphore(%arg17 : memref<!tpu.dma_semaphore, #tpu.memory_space<semaphore_mem>>) src(%dma_wait3A_515 : memref<50176x128xf32, #tpu.memory_space<hbm>>) dst(%arg12 : memref<128x128xf32, #tpu.memory_space<vmem>>)
        %mul3A_516 = arith.constant 128 : i32
        %mul3A_517 = arith.muli %mul3A_498, %mul3A_516 : i32
        %add3A_518 = arith.addi %mul3A_430, %mul3A_517 : i32
        %eq3A_519 = arith.constant 0 : i32
        %eq3A_520 = arith.cmpi eq, %mul3A_498, %eq3A_519 : i32
        %sub3A_521 = arith.constant 1 : i32
        %sub3A_522 = arith.subi %select_n3A_459, %sub3A_521 : i32
        %eq3A_523 = arith.cmpi eq, %mul3A_498, %sub3A_522 : i32
        %or3A = arith.ori %eq3A_520, %eq3A_523 : i1
        %convert_element_type3A_524 = arith.extui %or3A : i1 to i32
        %cond3A_525 = arith.constant 0 : i32
        %cond3A_526 = arith.cmpi ne, %convert_element_type3A_524, %cond3A_525 : i32
        %cond3A_527:8 = scf.if %cond3A_526 -> (i32, i32, vector<16xf32>, vector<16xf32>, vector<16xf32>, vector<16xf32>, vector<16xf32>, vector<16xf32>) {
          %scan3A_534 = arith.constant 0 : i32
          %scan3A_535 = arith.constant 128 : i32
          %scan3A_536 = arith.addi %scan3A_534, %scan3A_535 : i32
          %scan3A_537 = arith.constant 1 : i32
          %scan3A_538:8 = scf.for %scan3A_540 = %scan3A_534 to %scan3A_536 step %scan3A_537 iter_args(%scan3A_541 = %scan3A_489, %scan3A_542 = %scan3A_490, %scan3A_543 = %scan3A_491, %scan3A_544 = %scan3A_492, %scan3A_545 = %scan3A_493, %scan3A_546 = %scan3A_494, %scan3A_547 = %scan3A_495, %scan3A_548 = %scan3A_496) -> (i32, i32, vector<16xf32>, vector<16xf32>, vector<16xf32>, vector<16xf32>, vector<16xf32>, vector<16xf32>)  : i32 {
            %add3A_549 = arith.addi %add3A_518, %scan3A_540 : i32
            %le3A = arith.cmpi sle, %scan3A_542, %add3A_549 : i32
            %le3A_550 = arith.cmpi sle, %add3A_549, %squeeze3A_410 : i32
            %and3A_551 = arith.andi %le3A, %le3A_550 : i1
            %convert_element_type3A_552 = arith.extui %and3A_551 : i1 to i32
            %cond3A_553 = arith.constant 0 : i32
            %cond3A_554 = arith.cmpi ne, %convert_element_type3A_552, %cond3A_553 : i32
            %cond3A_555:8 = scf.if %cond3A_554 -> (i32, i32, vector<16xf32>, vector<16xf32>, vector<16xf32>, vector<16xf32>, vector<16xf32>, vector<16xf32>) {
              %swap3A_600 = arith.index_cast %scan3A_541 : i32 to index
              %swap3A_601 = arith.constant 0 : index
              %swap3A_602 = tpu.vector_load %arg14[%swap3A_600, %swap3A_601] {strides = array<i32>} : memref<256x128xf32, #tpu.memory_space<vmem>>, vector<16xf32>,
              tpu.vector_store %arg14[%swap3A_600, %swap3A_601], %scan3A_543 {strides = array<i32>} : memref<256x128xf32, #tpu.memory_space<vmem>>, vector<16xf32>,
              %swap3A_603 = arith.index_cast %scan3A_541 : i32 to index
              %swap3A_604 = arith.constant 48 : index
              %swap3A_605 = tpu.vector_load %arg14[%swap3A_603, %swap3A_604] {strides = array<i32>} : memref<256x128xf32, #tpu.memory_space<vmem>>, vector<16xf32>,
              tpu.vector_store %arg14[%swap3A_603, %swap3A_604], %scan3A_546 {strides = array<i32>} : memref<256x128xf32, #tpu.memory_space<vmem>>, vector<16xf32>,
              %swap3A_606 = arith.index_cast %scan3A_541 : i32 to index
              %swap3A_607 = arith.constant 16 : index
              %swap3A_608 = tpu.vector_load %arg14[%swap3A_606, %swap3A_607] {strides = array<i32>} : memref<256x128xf32, #tpu.memory_space<vmem>>, vector<16xf32>,
              tpu.vector_store %arg14[%swap3A_606, %swap3A_607], %scan3A_544 {strides = array<i32>} : memref<256x128xf32, #tpu.memory_space<vmem>>, vector<16xf32>,
              %swap3A_609 = arith.index_cast %scan3A_541 : i32 to index
              %swap3A_610 = arith.constant 64 : index
              %swap3A_611 = tpu.vector_load %arg14[%swap3A_609, %swap3A_610] {strides = array<i32>} : memref<256x128xf32, #tpu.memory_space<vmem>>, vector<16xf32>,
              tpu.vector_store %arg14[%swap3A_609, %swap3A_610], %scan3A_547 {strides = array<i32>} : memref<256x128xf32, #tpu.memory_space<vmem>>, vector<16xf32>,
              %swap3A_612 = arith.index_cast %scan3A_541 : i32 to index
              %swap3A_613 = arith.constant 32 : index
              %swap3A_614 = tpu.vector_load %arg14[%swap3A_612, %swap3A_613] {strides = array<i32>} : memref<256x128xf32, #tpu.memory_space<vmem>>, vector<16xf32>,
              tpu.vector_store %arg14[%swap3A_612, %swap3A_613], %scan3A_545 {strides = array<i32>} : memref<256x128xf32, #tpu.memory_space<vmem>>, vector<16xf32>,
              %swap3A_615 = arith.index_cast %scan3A_541 : i32 to index
              %swap3A_616 = arith.constant 80 : index
              %swap3A_617 = tpu.vector_load %arg14[%swap3A_615, %swap3A_616] {strides = array<i32>} : memref<256x128xf32, #tpu.memory_space<vmem>>, vector<16xf32>,
              tpu.vector_store %arg14[%swap3A_615, %swap3A_616], %scan3A_548 {strides = array<i32>} : memref<256x128xf32, #tpu.memory_space<vmem>>, vector<16xf32>,
              %add3A_618 = arith.constant 1 : i32
              %add3A_619 = arith.addi %scan3A_541, %add3A_618 : i32
              %get3A_620 = arith.index_cast %add3A_619 : i32 to index
              %get3A_621 = tpu.vector_load %arg10[%get3A_620] {strides = array<i32>} : memref<272xi32, #tpu.memory_space<vmem>>, vector<16xi32>,
              %sub3A_622 = vector.broadcast %add3A_549 : i32 to vector<16xi32>
              %sub3A_623 = arith.subi %sub3A_622, %get3A_621 : vector<16xi32>
              %add3A_624 = arith.constant 1 : i32
              %add3A_625 = vector.broadcast %add3A_624 : i32 to vector<16xi32>
              %add3A_626 = arith.addi %sub3A_623, %add3A_625 : vector<16xi32>
              %max3A_627 = arith.constant 0 : i32
              %max3A_628 = vector.broadcast %max3A_627 : i32 to vector<16xi32>
              %max3A_629 = arith.maxsi %add3A_626, %max3A_628 : vector<16xi32>
              %min3A_630 = arith.constant 1 : i32
              %min3A_631 = vector.broadcast %min3A_630 : i32 to vector<16xi32>
              %min3A_632 = arith.minsi %max3A_629, %min3A_631 : vector<16xi32>
              %reduce_sum3A = arith.constant true
              %reduce_sum3A_633 = vector.broadcast %reduce_sum3A : i1 to vector<16xi1>
              %reduce_sum3A_634 = tpu.scan <sum>, %min3A_632 masked %reduce_sum3A_633 : vector<16xi32>, vector<16xi1> -> vector<16xi32>
              %reduce_sum3A_635 = vector.extract %reduce_sum3A_634[15] : i32 from vector<16xi32>
              %add3A_636 = arith.addi %scan3A_541, %reduce_sum3A_635 : i32
              %min3A_637 = arith.constant 255 : i32
              %min3A_638 = arith.minsi %add3A_636, %min3A_637 : i32
              %sub3A_639 = arith.subi %min3A_638, %scan3A_541 : i32
              %eq3A_640 = arith.constant 16 : i32
              %eq3A_641 = arith.cmpi eq, %sub3A_639, %eq3A_640 : i32
              %convert_element_type3A_642 = arith.extui %eq3A_641 : i1 to i32
              %cond3A_643 = arith.constant 0 : i32
              %cond3A_644 = arith.cmpi ne, %convert_element_type3A_642, %cond3A_643 : i32
              %cond3A_645 = scf.if %cond3A_644 -> (i32) {
                %scan3A_656 = arith.constant 0 : i32
                %scan3A_657 = arith.constant 15 : i32
                %scan3A_658 = arith.addi %scan3A_656, %scan3A_657 : i32
                %scan3A_659 = arith.constant 1 : i32
                %scan3A_660 = scf.for %scan3A_662 = %scan3A_656 to %scan3A_658 step %scan3A_659 iter_args(%scan3A_663 = %min3A_638) -> (i32)  : i32 {
                  %add3A_664 = arith.constant 1 : i32
                  %add3A_665 = arith.addi %scan3A_663, %add3A_664 : i32
                  %get3A_666 = arith.index_cast %add3A_665 : i32 to index
                  %get3A_667 = tpu.vector_load %arg10[%get3A_666] {strides = array<i32>} : memref<272xi32, #tpu.memory_space<vmem>>, vector<16xi32>,
                  %sub3A_668 = vector.broadcast %add3A_549 : i32 to vector<16xi32>
                  %sub3A_669 = arith.subi %sub3A_668, %get3A_667 : vector<16xi32>
                  %add3A_670 = arith.constant 1 : i32
                  %add3A_671 = vector.broadcast %add3A_670 : i32 to vector<16xi32>
                  %add3A_672 = arith.addi %sub3A_669, %add3A_671 : vector<16xi32>
                  %max3A_673 = arith.constant 0 : i32
                  %max3A_674 = vector.broadcast %max3A_673 : i32 to vector<16xi32>
                  %max3A_675 = arith.maxsi %add3A_672, %max3A_674 : vector<16xi32>
                  %min3A_676 = arith.constant 1 : i32
                  %min3A_677 = vector.broadcast %min3A_676 : i32 to vector<16xi32>
                  %min3A_678 = arith.minsi %max3A_675, %min3A_677 : vector<16xi32>
                  %reduce_sum3A_679 = arith.constant true
                  %reduce_sum3A_680 = vector.broadcast %reduce_sum3A_679 : i1 to vector<16xi1>
                  %reduce_sum3A_681 = tpu.scan <sum>, %min3A_678 masked %reduce_sum3A_680 : vector<16xi32>, vector<16xi1> -> vector<16xi32>
                  %reduce_sum3A_682 = vector.extract %reduce_sum3A_681[15] : i32 from vector<16xi32>
                  %add3A_683 = arith.addi %scan3A_663, %reduce_sum3A_682 : i32
                  %min3A_684 = arith.constant 255 : i32
                  %min3A_685 = arith.minsi %add3A_683, %min3A_684 : i32
                  scf.yield %min3A_685 : i32
                }
                %scan3A_661 = arith.constant 15 : i32
                scf.yield %scan3A_660 : i32
              } else {
                scf.yield %min3A_638 : i32
              }
              %add3A_646 = arith.constant 1 : i32
              %add3A_647 = arith.addi %cond3A_645, %add3A_646 : i32
              %get3A_648 = arith.index_cast %add3A_647 : i32 to index
              %get3A_649 = tpu.vector_load %arg10[%get3A_648] {strides = array<i32>} : memref<272xi32, #tpu.memory_space<vmem>>, vector<16xi32>,
              %slice3A_650 = vector.extract_strided_slice %get3A_649 {offsets = [0], sizes = [1], strides = [1]} : vector<16xi32> to vector<1xi32>
              %squeeze3A_651 = vector.extract %slice3A_650[0] : i32 from vector<1xi32>
              %broadcast_in_dim3A_652 = arith.constant 1.000000e+00 : f32
              %broadcast_in_dim3A_653 = vector.broadcast %broadcast_in_dim3A_652 : f32 to vector<16xf32>
              %broadcast_in_dim3A_654 = arith.constant 0.000000e+00 : f32
              %broadcast_in_dim3A_655 = vector.broadcast %broadcast_in_dim3A_654 : f32 to vector<16xf32>
              scf.yield %cond3A_645, %squeeze3A_651, %broadcast_in_dim3A_653, %broadcast_in_dim3A_653, %broadcast_in_dim3A_653, %broadcast_in_dim3A_655, %broadcast_in_dim3A_655, %broadcast_in_dim3A_655 : i32, i32, vector<16xf32>, vector<16xf32>, vector<16xf32>, vector<16xf32>, vector<16xf32>, vector<16xf32>
            } else {
              scf.yield %scan3A_541, %scan3A_542, %scan3A_543, %scan3A_544, %scan3A_545, %scan3A_546, %scan3A_547, %scan3A_548 : i32, i32, vector<16xf32>, vector<16xf32>, vector<16xf32>, vector<16xf32>, vector<16xf32>, vector<16xf32>
            }
            %get3A_556 = arith.index_cast %scan3A_540 : i32 to index
            %get3A_557 = arith.constant 0 : index
            %get3A_558 = tpu.vector_load %arg12[%get3A_556, %get3A_557] {strides = array<i32>} : memref<128x128xf32, #tpu.memory_space<vmem>>, vector<16xf32>,
            %get3A_559 = arith.index_cast %scan3A_540 : i32 to index
            %get3A_560 = arith.constant 16 : index
            %get3A_561 = tpu.vector_load %arg12[%get3A_559, %get3A_560] {strides = array<i32>} : memref<128x128xf32, #tpu.memory_space<vmem>>, vector<16xf32>,
            %get3A_562 = arith.index_cast %scan3A_540 : i32 to index
            %get3A_563 = arith.constant 32 : index
            %get3A_564 = tpu.vector_load %arg12[%get3A_562, %get3A_563] {strides = array<i32>} : memref<128x128xf32, #tpu.memory_space<vmem>>, vector<16xf32>,
            %get3A_565 = arith.index_cast %scan3A_540 : i32 to index
            %get3A_566 = arith.constant 48 : index
            %get3A_567 = tpu.vector_load %arg12[%get3A_565, %get3A_566] {strides = array<i32>} : memref<128x128xf32, #tpu.memory_space<vmem>>, vector<16xf32>,
            %get3A_568 = arith.index_cast %scan3A_540 : i32 to index
            %get3A_569 = arith.constant 64 : index
            %get3A_570 = tpu.vector_load %arg12[%get3A_568, %get3A_569] {strides = array<i32>} : memref<128x128xf32, #tpu.memory_space<vmem>>, vector<16xf32>,
            %get3A_571 = arith.index_cast %scan3A_540 : i32 to index
            %get3A_572 = arith.constant 80 : index
            %get3A_573 = tpu.vector_load %arg12[%get3A_571, %get3A_572] {strides = array<i32>} : memref<128x128xf32, #tpu.memory_space<vmem>>, vector<16xf32>,
            %mul3A_574 = arith.mulf %cond3A_555#2, %get3A_558 : vector<16xf32>
            %mul3A_575 = arith.mulf %cond3A_555#5, %get3A_567 : vector<16xf32>
            %sub3A_576 = arith.subf %mul3A_574, %mul3A_575 : vector<16xf32>
            %mul3A_577 = arith.mulf %cond3A_555#3, %get3A_561 : vector<16xf32>
            %mul3A_578 = arith.mulf %cond3A_555#6, %get3A_570 : vector<16xf32>
            %sub3A_579 = arith.subf %mul3A_577, %mul3A_578 : vector<16xf32>
            %mul3A_580 = arith.mulf %cond3A_555#4, %get3A_564 : vector<16xf32>
            %mul3A_581 = arith.mulf %cond3A_555#7, %get3A_573 : vector<16xf32>
            %sub3A_582 = arith.subf %mul3A_580, %mul3A_581 : vector<16xf32>
            %mul3A_583 = arith.mulf %cond3A_555#2, %get3A_567 : vector<16xf32>
            %mul3A_584 = arith.mulf %cond3A_555#5, %get3A_558 : vector<16xf32>
            %add3A_585 = arith.addf %mul3A_583, %mul3A_584 : vector<16xf32>
            %mul3A_586 = arith.mulf %cond3A_555#3, %get3A_570 : vector<16xf32>
            %mul3A_587 = arith.mulf %cond3A_555#6, %get3A_561 : vector<16xf32>
            %add3A_588 = arith.addf %mul3A_586, %mul3A_587 : vector<16xf32>
            %mul3A_589 = arith.mulf %cond3A_555#4, %get3A_573 : vector<16xf32>
            %mul3A_590 = arith.mulf %cond3A_555#7, %get3A_564 : vector<16xf32>
            %add3A_591 = arith.addf %mul3A_589, %mul3A_590 : vector<16xf32>
            %ge3A = arith.cmpi sge, %add3A_549, %squeeze3A : i32
            %lt3A_592 = arith.cmpi slt, %add3A_549, %squeeze3A_410 : i32
            %and3A_593 = arith.andi %ge3A, %lt3A_592 : i1
            %select_n3A_594 = arith.select %and3A_593, %sub3A_576, %cond3A_555#2 : vector<16xf32>
            %select_n3A_595 = arith.select %and3A_593, %sub3A_579, %cond3A_555#3 : vector<16xf32>
            %select_n3A_596 = arith.select %and3A_593, %sub3A_582, %cond3A_555#4 : vector<16xf32>
            %select_n3A_597 = arith.select %and3A_593, %add3A_585, %cond3A_555#5 : vector<16xf32>
            %select_n3A_598 = arith.select %and3A_593, %add3A_588, %cond3A_555#6 : vector<16xf32>
            %select_n3A_599 = arith.select %and3A_593, %add3A_591, %cond3A_555#7 : vector<16xf32>
            scf.yield %cond3A_555#0, %cond3A_555#1, %select_n3A_594, %select_n3A_595, %select_n3A_596, %select_n3A_597, %select_n3A_598, %select_n3A_599 : i32, i32, vector<16xf32>, vector<16xf32>, vector<16xf32>, vector<16xf32>, vector<16xf32>, vector<16xf32>
          }
          %scan3A_539 = arith.constant 128 : i32
          scf.yield %scan3A_538#0, %scan3A_538#1, %scan3A_538#2, %scan3A_538#3, %scan3A_538#4, %scan3A_538#5, %scan3A_538#6, %scan3A_538#7 : i32, i32, vector<16xf32>, vector<16xf32>, vector<16xf32>, vector<16xf32>, vector<16xf32>, vector<16xf32>
        } else {
          %scan3A_534 = arith.constant 0 : i32
          %scan3A_535 = arith.constant 128 : i32
          %scan3A_536 = arith.addi %scan3A_534, %scan3A_535 : i32
          %scan3A_537 = arith.constant 1 : i32
          %scan3A_538:8 = scf.for %scan3A_540 = %scan3A_534 to %scan3A_536 step %scan3A_537 iter_args(%scan3A_541 = %scan3A_489, %scan3A_542 = %scan3A_490, %scan3A_543 = %scan3A_491, %scan3A_544 = %scan3A_492, %scan3A_545 = %scan3A_493, %scan3A_546 = %scan3A_494, %scan3A_547 = %scan3A_495, %scan3A_548 = %scan3A_496) -> (i32, i32, vector<16xf32>, vector<16xf32>, vector<16xf32>, vector<16xf32>, vector<16xf32>, vector<16xf32>)  : i32 {
            %add3A_549 = arith.addi %add3A_518, %scan3A_540 : i32
            %le3A = arith.cmpi sle, %scan3A_542, %add3A_549 : i32
            %convert_element_type3A_550 = arith.extui %le3A : i1 to i32
            %cond3A_551 = arith.constant 0 : i32
            %cond3A_552 = arith.cmpi ne, %convert_element_type3A_550, %cond3A_551 : i32
            %cond3A_553:8 = scf.if %cond3A_552 -> (i32, i32, vector<16xf32>, vector<16xf32>, vector<16xf32>, vector<16xf32>, vector<16xf32>, vector<16xf32>) {
              %swap3A_590 = arith.index_cast %scan3A_541 : i32 to index
              %swap3A_591 = arith.constant 0 : index
              %swap3A_592 = tpu.vector_load %arg14[%swap3A_590, %swap3A_591] {strides = array<i32>} : memref<256x128xf32, #tpu.memory_space<vmem>>, vector<16xf32>,
              tpu.vector_store %arg14[%swap3A_590, %swap3A_591], %scan3A_543 {strides = array<i32>} : memref<256x128xf32, #tpu.memory_space<vmem>>, vector<16xf32>,
              %swap3A_593 = arith.index_cast %scan3A_541 : i32 to index
              %swap3A_594 = arith.constant 48 : index
              %swap3A_595 = tpu.vector_load %arg14[%swap3A_593, %swap3A_594] {strides = array<i32>} : memref<256x128xf32, #tpu.memory_space<vmem>>, vector<16xf32>,
              tpu.vector_store %arg14[%swap3A_593, %swap3A_594], %scan3A_546 {strides = array<i32>} : memref<256x128xf32, #tpu.memory_space<vmem>>, vector<16xf32>,
              %swap3A_596 = arith.index_cast %scan3A_541 : i32 to index
              %swap3A_597 = arith.constant 16 : index
              %swap3A_598 = tpu.vector_load %arg14[%swap3A_596, %swap3A_597] {strides = array<i32>} : memref<256x128xf32, #tpu.memory_space<vmem>>, vector<16xf32>,
              tpu.vector_store %arg14[%swap3A_596, %swap3A_597], %scan3A_544 {strides = array<i32>} : memref<256x128xf32, #tpu.memory_space<vmem>>, vector<16xf32>,
              %swap3A_599 = arith.index_cast %scan3A_541 : i32 to index
              %swap3A_600 = arith.constant 64 : index
              %swap3A_601 = tpu.vector_load %arg14[%swap3A_599, %swap3A_600] {strides = array<i32>} : memref<256x128xf32, #tpu.memory_space<vmem>>, vector<16xf32>,
              tpu.vector_store %arg14[%swap3A_599, %swap3A_600], %scan3A_547 {strides = array<i32>} : memref<256x128xf32, #tpu.memory_space<vmem>>, vector<16xf32>,
              %swap3A_602 = arith.index_cast %scan3A_541 : i32 to index
              %swap3A_603 = arith.constant 32 : index
              %swap3A_604 = tpu.vector_load %arg14[%swap3A_602, %swap3A_603] {strides = array<i32>} : memref<256x128xf32, #tpu.memory_space<vmem>>, vector<16xf32>,
              tpu.vector_store %arg14[%swap3A_602, %swap3A_603], %scan3A_545 {strides = array<i32>} : memref<256x128xf32, #tpu.memory_space<vmem>>, vector<16xf32>,
              %swap3A_605 = arith.index_cast %scan3A_541 : i32 to index
              %swap3A_606 = arith.constant 80 : index
              %swap3A_607 = tpu.vector_load %arg14[%swap3A_605, %swap3A_606] {strides = array<i32>} : memref<256x128xf32, #tpu.memory_space<vmem>>, vector<16xf32>,
              tpu.vector_store %arg14[%swap3A_605, %swap3A_606], %scan3A_548 {strides = array<i32>} : memref<256x128xf32, #tpu.memory_space<vmem>>, vector<16xf32>,
              %add3A_608 = arith.constant 1 : i32
              %add3A_609 = arith.addi %scan3A_541, %add3A_608 : i32
              %get3A_610 = arith.index_cast %add3A_609 : i32 to index
              %get3A_611 = tpu.vector_load %arg10[%get3A_610] {strides = array<i32>} : memref<272xi32, #tpu.memory_space<vmem>>, vector<16xi32>,
              %sub3A_612 = vector.broadcast %add3A_549 : i32 to vector<16xi32>
              %sub3A_613 = arith.subi %sub3A_612, %get3A_611 : vector<16xi32>
              %add3A_614 = arith.constant 1 : i32
              %add3A_615 = vector.broadcast %add3A_614 : i32 to vector<16xi32>
              %add3A_616 = arith.addi %sub3A_613, %add3A_615 : vector<16xi32>
              %max3A_617 = arith.constant 0 : i32
              %max3A_618 = vector.broadcast %max3A_617 : i32 to vector<16xi32>
              %max3A_619 = arith.maxsi %add3A_616, %max3A_618 : vector<16xi32>
              %min3A_620 = arith.constant 1 : i32
              %min3A_621 = vector.broadcast %min3A_620 : i32 to vector<16xi32>
              %min3A_622 = arith.minsi %max3A_619, %min3A_621 : vector<16xi32>
              %reduce_sum3A = arith.constant true
              %reduce_sum3A_623 = vector.broadcast %reduce_sum3A : i1 to vector<16xi1>
              %reduce_sum3A_624 = tpu.scan <sum>, %min3A_622 masked %reduce_sum3A_623 : vector<16xi32>, vector<16xi1> -> vector<16xi32>
              %reduce_sum3A_625 = vector.extract %reduce_sum3A_624[15] : i32 from vector<16xi32>
              %add3A_626 = arith.addi %scan3A_541, %reduce_sum3A_625 : i32
              %min3A_627 = arith.constant 255 : i32
              %min3A_628 = arith.minsi %add3A_626, %min3A_627 : i32
              %sub3A_629 = arith.subi %min3A_628, %scan3A_541 : i32
              %eq3A_630 = arith.constant 16 : i32
              %eq3A_631 = arith.cmpi eq, %sub3A_629, %eq3A_630 : i32
              %convert_element_type3A_632 = arith.extui %eq3A_631 : i1 to i32
              %cond3A_633 = arith.constant 0 : i32
              %cond3A_634 = arith.cmpi ne, %convert_element_type3A_632, %cond3A_633 : i32
              %cond3A_635 = scf.if %cond3A_634 -> (i32) {
                %scan3A_646 = arith.constant 0 : i32
                %scan3A_647 = arith.constant 15 : i32
                %scan3A_648 = arith.addi %scan3A_646, %scan3A_647 : i32
                %scan3A_649 = arith.constant 1 : i32
                %scan3A_650 = scf.for %scan3A_652 = %scan3A_646 to %scan3A_648 step %scan3A_649 iter_args(%scan3A_653 = %min3A_628) -> (i32)  : i32 {
                  %add3A_654 = arith.constant 1 : i32
                  %add3A_655 = arith.addi %scan3A_653, %add3A_654 : i32
                  %get3A_656 = arith.index_cast %add3A_655 : i32 to index
                  %get3A_657 = tpu.vector_load %arg10[%get3A_656] {strides = array<i32>} : memref<272xi32, #tpu.memory_space<vmem>>, vector<16xi32>,
                  %sub3A_658 = vector.broadcast %add3A_549 : i32 to vector<16xi32>
                  %sub3A_659 = arith.subi %sub3A_658, %get3A_657 : vector<16xi32>
                  %add3A_660 = arith.constant 1 : i32
                  %add3A_661 = vector.broadcast %add3A_660 : i32 to vector<16xi32>
                  %add3A_662 = arith.addi %sub3A_659, %add3A_661 : vector<16xi32>
                  %max3A_663 = arith.constant 0 : i32
                  %max3A_664 = vector.broadcast %max3A_663 : i32 to vector<16xi32>
                  %max3A_665 = arith.maxsi %add3A_662, %max3A_664 : vector<16xi32>
                  %min3A_666 = arith.constant 1 : i32
                  %min3A_667 = vector.broadcast %min3A_666 : i32 to vector<16xi32>
                  %min3A_668 = arith.minsi %max3A_665, %min3A_667 : vector<16xi32>
                  %reduce_sum3A_669 = arith.constant true
                  %reduce_sum3A_670 = vector.broadcast %reduce_sum3A_669 : i1 to vector<16xi1>
                  %reduce_sum3A_671 = tpu.scan <sum>, %min3A_668 masked %reduce_sum3A_670 : vector<16xi32>, vector<16xi1> -> vector<16xi32>
                  %reduce_sum3A_672 = vector.extract %reduce_sum3A_671[15] : i32 from vector<16xi32>
                  %add3A_673 = arith.addi %scan3A_653, %reduce_sum3A_672 : i32
                  %min3A_674 = arith.constant 255 : i32
                  %min3A_675 = arith.minsi %add3A_673, %min3A_674 : i32
                  scf.yield %min3A_675 : i32
                }
                %scan3A_651 = arith.constant 15 : i32
                scf.yield %scan3A_650 : i32
              } else {
                scf.yield %min3A_628 : i32
              }
              %add3A_636 = arith.constant 1 : i32
              %add3A_637 = arith.addi %cond3A_635, %add3A_636 : i32
              %get3A_638 = arith.index_cast %add3A_637 : i32 to index
              %get3A_639 = tpu.vector_load %arg10[%get3A_638] {strides = array<i32>} : memref<272xi32, #tpu.memory_space<vmem>>, vector<16xi32>,
              %slice3A_640 = vector.extract_strided_slice %get3A_639 {offsets = [0], sizes = [1], strides = [1]} : vector<16xi32> to vector<1xi32>
              %squeeze3A_641 = vector.extract %slice3A_640[0] : i32 from vector<1xi32>
              %broadcast_in_dim3A_642 = arith.constant 1.000000e+00 : f32
              %broadcast_in_dim3A_643 = vector.broadcast %broadcast_in_dim3A_642 : f32 to vector<16xf32>
              %broadcast_in_dim3A_644 = arith.constant 0.000000e+00 : f32
              %broadcast_in_dim3A_645 = vector.broadcast %broadcast_in_dim3A_644 : f32 to vector<16xf32>
              scf.yield %cond3A_635, %squeeze3A_641, %broadcast_in_dim3A_643, %broadcast_in_dim3A_643, %broadcast_in_dim3A_643, %broadcast_in_dim3A_645, %broadcast_in_dim3A_645, %broadcast_in_dim3A_645 : i32, i32, vector<16xf32>, vector<16xf32>, vector<16xf32>, vector<16xf32>, vector<16xf32>, vector<16xf32>
            } else {
              scf.yield %scan3A_541, %scan3A_542, %scan3A_543, %scan3A_544, %scan3A_545, %scan3A_546, %scan3A_547, %scan3A_548 : i32, i32, vector<16xf32>, vector<16xf32>, vector<16xf32>, vector<16xf32>, vector<16xf32>, vector<16xf32>
            }
            %get3A_554 = arith.index_cast %scan3A_540 : i32 to index
            %get3A_555 = arith.constant 0 : index
            %get3A_556 = tpu.vector_load %arg12[%get3A_554, %get3A_555] {strides = array<i32>} : memref<128x128xf32, #tpu.memory_space<vmem>>, vector<16xf32>,
            %get3A_557 = arith.index_cast %scan3A_540 : i32 to index
            %get3A_558 = arith.constant 16 : index
            %get3A_559 = tpu.vector_load %arg12[%get3A_557, %get3A_558] {strides = array<i32>} : memref<128x128xf32, #tpu.memory_space<vmem>>, vector<16xf32>,
            %get3A_560 = arith.index_cast %scan3A_540 : i32 to index
            %get3A_561 = arith.constant 32 : index
            %get3A_562 = tpu.vector_load %arg12[%get3A_560, %get3A_561] {strides = array<i32>} : memref<128x128xf32, #tpu.memory_space<vmem>>, vector<16xf32>,
            %get3A_563 = arith.index_cast %scan3A_540 : i32 to index
            %get3A_564 = arith.constant 48 : index
            %get3A_565 = tpu.vector_load %arg12[%get3A_563, %get3A_564] {strides = array<i32>} : memref<128x128xf32, #tpu.memory_space<vmem>>, vector<16xf32>,
            %get3A_566 = arith.index_cast %scan3A_540 : i32 to index
            %get3A_567 = arith.constant 64 : index
            %get3A_568 = tpu.vector_load %arg12[%get3A_566, %get3A_567] {strides = array<i32>} : memref<128x128xf32, #tpu.memory_space<vmem>>, vector<16xf32>,
            %get3A_569 = arith.index_cast %scan3A_540 : i32 to index
            %get3A_570 = arith.constant 80 : index
            %get3A_571 = tpu.vector_load %arg12[%get3A_569, %get3A_570] {strides = array<i32>} : memref<128x128xf32, #tpu.memory_space<vmem>>, vector<16xf32>,
            %mul3A_572 = arith.mulf %cond3A_553#2, %get3A_556 : vector<16xf32>
            %mul3A_573 = arith.mulf %cond3A_553#5, %get3A_565 : vector<16xf32>
            %sub3A_574 = arith.subf %mul3A_572, %mul3A_573 : vector<16xf32>
            %mul3A_575 = arith.mulf %cond3A_553#3, %get3A_559 : vector<16xf32>
            %mul3A_576 = arith.mulf %cond3A_553#6, %get3A_568 : vector<16xf32>
            %sub3A_577 = arith.subf %mul3A_575, %mul3A_576 : vector<16xf32>
            %mul3A_578 = arith.mulf %cond3A_553#4, %get3A_562 : vector<16xf32>
            %mul3A_579 = arith.mulf %cond3A_553#7, %get3A_571 : vector<16xf32>
            %sub3A_580 = arith.subf %mul3A_578, %mul3A_579 : vector<16xf32>
            %mul3A_581 = arith.mulf %cond3A_553#2, %get3A_565 : vector<16xf32>
            %mul3A_582 = arith.mulf %cond3A_553#5, %get3A_556 : vector<16xf32>
            %add3A_583 = arith.addf %mul3A_581, %mul3A_582 : vector<16xf32>
            %mul3A_584 = arith.mulf %cond3A_553#3, %get3A_568 : vector<16xf32>
            %mul3A_585 = arith.mulf %cond3A_553#6, %get3A_559 : vector<16xf32>
            %add3A_586 = arith.addf %mul3A_584, %mul3A_585 : vector<16xf32>
            %mul3A_587 = arith.mulf %cond3A_553#4, %get3A_571 : vector<16xf32>
            %mul3A_588 = arith.mulf %cond3A_553#7, %get3A_562 : vector<16xf32>
            %add3A_589 = arith.addf %mul3A_587, %mul3A_588 : vector<16xf32>
            scf.yield %cond3A_553#0, %cond3A_553#1, %sub3A_574, %sub3A_577, %sub3A_580, %add3A_583, %add3A_586, %add3A_589 : i32, i32, vector<16xf32>, vector<16xf32>, vector<16xf32>, vector<16xf32>, vector<16xf32>, vector<16xf32>
          }
          %scan3A_539 = arith.constant 128 : i32
          scf.yield %scan3A_538#0, %scan3A_538#1, %scan3A_538#2, %scan3A_538#3, %scan3A_538#4, %scan3A_538#5, %scan3A_538#6, %scan3A_538#7 : i32, i32, vector<16xf32>, vector<16xf32>, vector<16xf32>, vector<16xf32>, vector<16xf32>, vector<16xf32>
        }
        %add3A_528 = arith.constant 2 : i32
        %add3A_529 = arith.addi %mul3A_498, %add3A_528 : i32
        %lt3A_530 = arith.cmpi slt, %add3A_529, %select_n3A_459 : i32
        %convert_element_type3A_531 = arith.extui %lt3A_530 : i1 to i32
        %cond3A_532 = arith.constant 0 : i32
        %cond3A_533 = arith.cmpi ne, %convert_element_type3A_531, %cond3A_532 : i32
        scf.if %cond3A_533 {
          %add3A_534 = arith.constant 2 : i32
          %add3A_535 = arith.addi %mul3A_498, %add3A_534 : i32
          %mul3A_536 = arith.constant 128 : i32
          %mul3A_537 = arith.muli %add3A_535, %mul3A_536 : i32
          %add3A_538 = arith.addi %mul3A_430, %mul3A_537 : i32
          %dma_start3A = tpu.memref_slice %arg9[%add3A_538] : memref<32904xi32, #tpu.memory_space<vmem>> -> memref<128xi32, #tpu.memory_space<vmem>>
          %dma_start3A_539 = arith.constant 0 : i32
          %dma_start3A_540 = arith.constant 0 : i32
          %dma_start3A_541 = tpu.memref_slice %arg2[%dma_start3A_539, %dma_start3A_540] : memref<50176x128xf32, #tpu.memory_space<hbm>> -> memref<50176x128xf32, #tpu.memory_space<hbm>>
          tpu.enqueue_indirect_dma source(%dma_start3A_541 : memref<50176x128xf32, #tpu.memory_space<hbm>>) target(%arg12 : memref<128x128xf32, #tpu.memory_space<vmem>>) offsets(%dma_start3A : memref<128xi32, #tpu.memory_space<vmem>>) semaphore(%arg17 : memref<!tpu.dma_semaphore, #tpu.memory_space<semaphore_mem>>)
        } else {
        }
        scf.yield %cond3A_527#0, %cond3A_527#1, %cond3A_527#2, %cond3A_527#3, %cond3A_527#4, %cond3A_527#5, %cond3A_527#6, %cond3A_527#7 : i32, i32, vector<16xf32>, vector<16xf32>, vector<16xf32>, vector<16xf32>, vector<16xf32>, vector<16xf32>
      } else {
        scf.yield %scan3A_489, %scan3A_490, %scan3A_491, %scan3A_492, %scan3A_493, %scan3A_494, %scan3A_495, %scan3A_496 : i32, i32, vector<16xf32>, vector<16xf32>, vector<16xf32>, vector<16xf32>, vector<16xf32>, vector<16xf32>
      }
      %add3A_503 = arith.constant 1 : i32
      %add3A_504 = arith.addi %mul3A_498, %add3A_503 : i32
      %lt3A_505 = arith.cmpi slt, %add3A_504, %select_n3A_459 : i32
      %convert_element_type3A_506 = arith.extui %lt3A_505 : i1 to i32
      %cond3A_507 = arith.constant 0 : i32
      %cond3A_508 = arith.cmpi ne, %convert_element_type3A_506, %cond3A_507 : i32
      %cond3A_509:8 = scf.if %cond3A_508 -> (i32, i32, vector<16xf32>, vector<16xf32>, vector<16xf32>, vector<16xf32>, vector<16xf32>, vector<16xf32>) {
        %add3A_510 = arith.constant 1 : i32
        %add3A_511 = arith.addi %mul3A_498, %add3A_510 : i32
        %mul3A_512 = arith.constant 128 : i32
        %mul3A_513 = arith.muli %add3A_511, %mul3A_512 : i32
        %add3A_514 = arith.addi %mul3A_430, %mul3A_513 : i32
        %dma_wait3A = tpu.memref_slice %arg9[%add3A_514] : memref<32904xi32, #tpu.memory_space<vmem>> -> memref<128xi32, #tpu.memory_space<vmem>>
        %dma_wait3A_515 = arith.constant 0 : i32
        %dma_wait3A_516 = arith.constant 0 : i32
        %dma_wait3A_517 = tpu.memref_slice %arg2[%dma_wait3A_515, %dma_wait3A_516] : memref<50176x128xf32, #tpu.memory_space<hbm>> -> memref<50176x128xf32, #tpu.memory_space<hbm>>
        tpu.wait_indirect_dma semaphore(%arg18 : memref<!tpu.dma_semaphore, #tpu.memory_space<semaphore_mem>>) src(%dma_wait3A_517 : memref<50176x128xf32, #tpu.memory_space<hbm>>) dst(%arg13 : memref<128x128xf32, #tpu.memory_space<vmem>>)
        %mul3A_518 = arith.constant 128 : i32
        %mul3A_519 = arith.muli %add3A_511, %mul3A_518 : i32
        %add3A_520 = arith.addi %mul3A_430, %mul3A_519 : i32
        %eq3A_521 = arith.constant 0 : i32
        %eq3A_522 = arith.cmpi eq, %add3A_511, %eq3A_521 : i32
        %sub3A_523 = arith.constant 1 : i32
        %sub3A_524 = arith.subi %select_n3A_459, %sub3A_523 : i32
        %eq3A_525 = arith.cmpi eq, %add3A_511, %sub3A_524 : i32
        %or3A = arith.ori %eq3A_522, %eq3A_525 : i1
        %convert_element_type3A_526 = arith.extui %or3A : i1 to i32
        %cond3A_527 = arith.constant 0 : i32
        %cond3A_528 = arith.cmpi ne, %convert_element_type3A_526, %cond3A_527 : i32
        %cond3A_529:8 = scf.if %cond3A_528 -> (i32, i32, vector<16xf32>, vector<16xf32>, vector<16xf32>, vector<16xf32>, vector<16xf32>, vector<16xf32>) {
          %scan3A_536 = arith.constant 0 : i32
          %scan3A_537 = arith.constant 128 : i32
          %scan3A_538 = arith.addi %scan3A_536, %scan3A_537 : i32
          %scan3A_539 = arith.constant 1 : i32
          %scan3A_540:8 = scf.for %scan3A_542 = %scan3A_536 to %scan3A_538 step %scan3A_539 iter_args(%scan3A_543 = %cond3A_502#0, %scan3A_544 = %cond3A_502#1, %scan3A_545 = %cond3A_502#2, %scan3A_546 = %cond3A_502#3, %scan3A_547 = %cond3A_502#4, %scan3A_548 = %cond3A_502#5, %scan3A_549 = %cond3A_502#6, %scan3A_550 = %cond3A_502#7) -> (i32, i32, vector<16xf32>, vector<16xf32>, vector<16xf32>, vector<16xf32>, vector<16xf32>, vector<16xf32>)  : i32 {
            %add3A_551 = arith.addi %add3A_520, %scan3A_542 : i32
            %le3A = arith.cmpi sle, %scan3A_544, %add3A_551 : i32
            %le3A_552 = arith.cmpi sle, %add3A_551, %squeeze3A_410 : i32
            %and3A_553 = arith.andi %le3A, %le3A_552 : i1
            %convert_element_type3A_554 = arith.extui %and3A_553 : i1 to i32
            %cond3A_555 = arith.constant 0 : i32
            %cond3A_556 = arith.cmpi ne, %convert_element_type3A_554, %cond3A_555 : i32
            %cond3A_557:8 = scf.if %cond3A_556 -> (i32, i32, vector<16xf32>, vector<16xf32>, vector<16xf32>, vector<16xf32>, vector<16xf32>, vector<16xf32>) {
              %swap3A_602 = arith.index_cast %scan3A_543 : i32 to index
              %swap3A_603 = arith.constant 0 : index
              %swap3A_604 = tpu.vector_load %arg14[%swap3A_602, %swap3A_603] {strides = array<i32>} : memref<256x128xf32, #tpu.memory_space<vmem>>, vector<16xf32>,
              tpu.vector_store %arg14[%swap3A_602, %swap3A_603], %scan3A_545 {strides = array<i32>} : memref<256x128xf32, #tpu.memory_space<vmem>>, vector<16xf32>,
              %swap3A_605 = arith.index_cast %scan3A_543 : i32 to index
              %swap3A_606 = arith.constant 48 : index
              %swap3A_607 = tpu.vector_load %arg14[%swap3A_605, %swap3A_606] {strides = array<i32>} : memref<256x128xf32, #tpu.memory_space<vmem>>, vector<16xf32>,
              tpu.vector_store %arg14[%swap3A_605, %swap3A_606], %scan3A_548 {strides = array<i32>} : memref<256x128xf32, #tpu.memory_space<vmem>>, vector<16xf32>,
              %swap3A_608 = arith.index_cast %scan3A_543 : i32 to index
              %swap3A_609 = arith.constant 16 : index
              %swap3A_610 = tpu.vector_load %arg14[%swap3A_608, %swap3A_609] {strides = array<i32>} : memref<256x128xf32, #tpu.memory_space<vmem>>, vector<16xf32>,
              tpu.vector_store %arg14[%swap3A_608, %swap3A_609], %scan3A_546 {strides = array<i32>} : memref<256x128xf32, #tpu.memory_space<vmem>>, vector<16xf32>,
              %swap3A_611 = arith.index_cast %scan3A_543 : i32 to index
              %swap3A_612 = arith.constant 64 : index
              %swap3A_613 = tpu.vector_load %arg14[%swap3A_611, %swap3A_612] {strides = array<i32>} : memref<256x128xf32, #tpu.memory_space<vmem>>, vector<16xf32>,
              tpu.vector_store %arg14[%swap3A_611, %swap3A_612], %scan3A_549 {strides = array<i32>} : memref<256x128xf32, #tpu.memory_space<vmem>>, vector<16xf32>,
              %swap3A_614 = arith.index_cast %scan3A_543 : i32 to index
              %swap3A_615 = arith.constant 32 : index
              %swap3A_616 = tpu.vector_load %arg14[%swap3A_614, %swap3A_615] {strides = array<i32>} : memref<256x128xf32, #tpu.memory_space<vmem>>, vector<16xf32>,
              tpu.vector_store %arg14[%swap3A_614, %swap3A_615], %scan3A_547 {strides = array<i32>} : memref<256x128xf32, #tpu.memory_space<vmem>>, vector<16xf32>,
              %swap3A_617 = arith.index_cast %scan3A_543 : i32 to index
              %swap3A_618 = arith.constant 80 : index
              %swap3A_619 = tpu.vector_load %arg14[%swap3A_617, %swap3A_618] {strides = array<i32>} : memref<256x128xf32, #tpu.memory_space<vmem>>, vector<16xf32>,
              tpu.vector_store %arg14[%swap3A_617, %swap3A_618], %scan3A_550 {strides = array<i32>} : memref<256x128xf32, #tpu.memory_space<vmem>>, vector<16xf32>,
              %add3A_620 = arith.constant 1 : i32
              %add3A_621 = arith.addi %scan3A_543, %add3A_620 : i32
              %get3A_622 = arith.index_cast %add3A_621 : i32 to index
              %get3A_623 = tpu.vector_load %arg10[%get3A_622] {strides = array<i32>} : memref<272xi32, #tpu.memory_space<vmem>>, vector<16xi32>,
              %sub3A_624 = vector.broadcast %add3A_551 : i32 to vector<16xi32>
              %sub3A_625 = arith.subi %sub3A_624, %get3A_623 : vector<16xi32>
              %add3A_626 = arith.constant 1 : i32
              %add3A_627 = vector.broadcast %add3A_626 : i32 to vector<16xi32>
              %add3A_628 = arith.addi %sub3A_625, %add3A_627 : vector<16xi32>
              %max3A_629 = arith.constant 0 : i32
              %max3A_630 = vector.broadcast %max3A_629 : i32 to vector<16xi32>
              %max3A_631 = arith.maxsi %add3A_628, %max3A_630 : vector<16xi32>
              %min3A_632 = arith.constant 1 : i32
              %min3A_633 = vector.broadcast %min3A_632 : i32 to vector<16xi32>
              %min3A_634 = arith.minsi %max3A_631, %min3A_633 : vector<16xi32>
              %reduce_sum3A = arith.constant true
              %reduce_sum3A_635 = vector.broadcast %reduce_sum3A : i1 to vector<16xi1>
              %reduce_sum3A_636 = tpu.scan <sum>, %min3A_634 masked %reduce_sum3A_635 : vector<16xi32>, vector<16xi1> -> vector<16xi32>
              %reduce_sum3A_637 = vector.extract %reduce_sum3A_636[15] : i32 from vector<16xi32>
              %add3A_638 = arith.addi %scan3A_543, %reduce_sum3A_637 : i32
              %min3A_639 = arith.constant 255 : i32
              %min3A_640 = arith.minsi %add3A_638, %min3A_639 : i32
              %sub3A_641 = arith.subi %min3A_640, %scan3A_543 : i32
              %eq3A_642 = arith.constant 16 : i32
              %eq3A_643 = arith.cmpi eq, %sub3A_641, %eq3A_642 : i32
              %convert_element_type3A_644 = arith.extui %eq3A_643 : i1 to i32
              %cond3A_645 = arith.constant 0 : i32
              %cond3A_646 = arith.cmpi ne, %convert_element_type3A_644, %cond3A_645 : i32
              %cond3A_647 = scf.if %cond3A_646 -> (i32) {
                %scan3A_658 = arith.constant 0 : i32
                %scan3A_659 = arith.constant 15 : i32
                %scan3A_660 = arith.addi %scan3A_658, %scan3A_659 : i32
                %scan3A_661 = arith.constant 1 : i32
                %scan3A_662 = scf.for %scan3A_664 = %scan3A_658 to %scan3A_660 step %scan3A_661 iter_args(%scan3A_665 = %min3A_640) -> (i32)  : i32 {
                  %add3A_666 = arith.constant 1 : i32
                  %add3A_667 = arith.addi %scan3A_665, %add3A_666 : i32
                  %get3A_668 = arith.index_cast %add3A_667 : i32 to index
                  %get3A_669 = tpu.vector_load %arg10[%get3A_668] {strides = array<i32>} : memref<272xi32, #tpu.memory_space<vmem>>, vector<16xi32>,
                  %sub3A_670 = vector.broadcast %add3A_551 : i32 to vector<16xi32>
                  %sub3A_671 = arith.subi %sub3A_670, %get3A_669 : vector<16xi32>
                  %add3A_672 = arith.constant 1 : i32
                  %add3A_673 = vector.broadcast %add3A_672 : i32 to vector<16xi32>
                  %add3A_674 = arith.addi %sub3A_671, %add3A_673 : vector<16xi32>
                  %max3A_675 = arith.constant 0 : i32
                  %max3A_676 = vector.broadcast %max3A_675 : i32 to vector<16xi32>
                  %max3A_677 = arith.maxsi %add3A_674, %max3A_676 : vector<16xi32>
                  %min3A_678 = arith.constant 1 : i32
                  %min3A_679 = vector.broadcast %min3A_678 : i32 to vector<16xi32>
                  %min3A_680 = arith.minsi %max3A_677, %min3A_679 : vector<16xi32>
                  %reduce_sum3A_681 = arith.constant true
                  %reduce_sum3A_682 = vector.broadcast %reduce_sum3A_681 : i1 to vector<16xi1>
                  %reduce_sum3A_683 = tpu.scan <sum>, %min3A_680 masked %reduce_sum3A_682 : vector<16xi32>, vector<16xi1> -> vector<16xi32>
                  %reduce_sum3A_684 = vector.extract %reduce_sum3A_683[15] : i32 from vector<16xi32>
                  %add3A_685 = arith.addi %scan3A_665, %reduce_sum3A_684 : i32
                  %min3A_686 = arith.constant 255 : i32
                  %min3A_687 = arith.minsi %add3A_685, %min3A_686 : i32
                  scf.yield %min3A_687 : i32
                }
                %scan3A_663 = arith.constant 15 : i32
                scf.yield %scan3A_662 : i32
              } else {
                scf.yield %min3A_640 : i32
              }
              %add3A_648 = arith.constant 1 : i32
              %add3A_649 = arith.addi %cond3A_647, %add3A_648 : i32
              %get3A_650 = arith.index_cast %add3A_649 : i32 to index
              %get3A_651 = tpu.vector_load %arg10[%get3A_650] {strides = array<i32>} : memref<272xi32, #tpu.memory_space<vmem>>, vector<16xi32>,
              %slice3A_652 = vector.extract_strided_slice %get3A_651 {offsets = [0], sizes = [1], strides = [1]} : vector<16xi32> to vector<1xi32>
              %squeeze3A_653 = vector.extract %slice3A_652[0] : i32 from vector<1xi32>
              %broadcast_in_dim3A_654 = arith.constant 1.000000e+00 : f32
              %broadcast_in_dim3A_655 = vector.broadcast %broadcast_in_dim3A_654 : f32 to vector<16xf32>
              %broadcast_in_dim3A_656 = arith.constant 0.000000e+00 : f32
              %broadcast_in_dim3A_657 = vector.broadcast %broadcast_in_dim3A_656 : f32 to vector<16xf32>
              scf.yield %cond3A_647, %squeeze3A_653, %broadcast_in_dim3A_655, %broadcast_in_dim3A_655, %broadcast_in_dim3A_655, %broadcast_in_dim3A_657, %broadcast_in_dim3A_657, %broadcast_in_dim3A_657 : i32, i32, vector<16xf32>, vector<16xf32>, vector<16xf32>, vector<16xf32>, vector<16xf32>, vector<16xf32>
            } else {
              scf.yield %scan3A_543, %scan3A_544, %scan3A_545, %scan3A_546, %scan3A_547, %scan3A_548, %scan3A_549, %scan3A_550 : i32, i32, vector<16xf32>, vector<16xf32>, vector<16xf32>, vector<16xf32>, vector<16xf32>, vector<16xf32>
            }
            %get3A_558 = arith.index_cast %scan3A_542 : i32 to index
            %get3A_559 = arith.constant 0 : index
            %get3A_560 = tpu.vector_load %arg13[%get3A_558, %get3A_559] {strides = array<i32>} : memref<128x128xf32, #tpu.memory_space<vmem>>, vector<16xf32>,
            %get3A_561 = arith.index_cast %scan3A_542 : i32 to index
            %get3A_562 = arith.constant 16 : index
            %get3A_563 = tpu.vector_load %arg13[%get3A_561, %get3A_562] {strides = array<i32>} : memref<128x128xf32, #tpu.memory_space<vmem>>, vector<16xf32>,
            %get3A_564 = arith.index_cast %scan3A_542 : i32 to index
            %get3A_565 = arith.constant 32 : index
            %get3A_566 = tpu.vector_load %arg13[%get3A_564, %get3A_565] {strides = array<i32>} : memref<128x128xf32, #tpu.memory_space<vmem>>, vector<16xf32>,
            %get3A_567 = arith.index_cast %scan3A_542 : i32 to index
            %get3A_568 = arith.constant 48 : index
            %get3A_569 = tpu.vector_load %arg13[%get3A_567, %get3A_568] {strides = array<i32>} : memref<128x128xf32, #tpu.memory_space<vmem>>, vector<16xf32>,
            %get3A_570 = arith.index_cast %scan3A_542 : i32 to index
            %get3A_571 = arith.constant 64 : index
            %get3A_572 = tpu.vector_load %arg13[%get3A_570, %get3A_571] {strides = array<i32>} : memref<128x128xf32, #tpu.memory_space<vmem>>, vector<16xf32>,
            %get3A_573 = arith.index_cast %scan3A_542 : i32 to index
            %get3A_574 = arith.constant 80 : index
            %get3A_575 = tpu.vector_load %arg13[%get3A_573, %get3A_574] {strides = array<i32>} : memref<128x128xf32, #tpu.memory_space<vmem>>, vector<16xf32>,
            %mul3A_576 = arith.mulf %cond3A_557#2, %get3A_560 : vector<16xf32>
            %mul3A_577 = arith.mulf %cond3A_557#5, %get3A_569 : vector<16xf32>
            %sub3A_578 = arith.subf %mul3A_576, %mul3A_577 : vector<16xf32>
            %mul3A_579 = arith.mulf %cond3A_557#3, %get3A_563 : vector<16xf32>
            %mul3A_580 = arith.mulf %cond3A_557#6, %get3A_572 : vector<16xf32>
            %sub3A_581 = arith.subf %mul3A_579, %mul3A_580 : vector<16xf32>
            %mul3A_582 = arith.mulf %cond3A_557#4, %get3A_566 : vector<16xf32>
            %mul3A_583 = arith.mulf %cond3A_557#7, %get3A_575 : vector<16xf32>
            %sub3A_584 = arith.subf %mul3A_582, %mul3A_583 : vector<16xf32>
            %mul3A_585 = arith.mulf %cond3A_557#2, %get3A_569 : vector<16xf32>
            %mul3A_586 = arith.mulf %cond3A_557#5, %get3A_560 : vector<16xf32>
            %add3A_587 = arith.addf %mul3A_585, %mul3A_586 : vector<16xf32>
            %mul3A_588 = arith.mulf %cond3A_557#3, %get3A_572 : vector<16xf32>
            %mul3A_589 = arith.mulf %cond3A_557#6, %get3A_563 : vector<16xf32>
            %add3A_590 = arith.addf %mul3A_588, %mul3A_589 : vector<16xf32>
            %mul3A_591 = arith.mulf %cond3A_557#4, %get3A_575 : vector<16xf32>
            %mul3A_592 = arith.mulf %cond3A_557#7, %get3A_566 : vector<16xf32>
            %add3A_593 = arith.addf %mul3A_591, %mul3A_592 : vector<16xf32>
            %ge3A = arith.cmpi sge, %add3A_551, %squeeze3A : i32
            %lt3A_594 = arith.cmpi slt, %add3A_551, %squeeze3A_410 : i32
            %and3A_595 = arith.andi %ge3A, %lt3A_594 : i1
            %select_n3A_596 = arith.select %and3A_595, %sub3A_578, %cond3A_557#2 : vector<16xf32>
            %select_n3A_597 = arith.select %and3A_595, %sub3A_581, %cond3A_557#3 : vector<16xf32>
            %select_n3A_598 = arith.select %and3A_595, %sub3A_584, %cond3A_557#4 : vector<16xf32>
            %select_n3A_599 = arith.select %and3A_595, %add3A_587, %cond3A_557#5 : vector<16xf32>
            %select_n3A_600 = arith.select %and3A_595, %add3A_590, %cond3A_557#6 : vector<16xf32>
            %select_n3A_601 = arith.select %and3A_595, %add3A_593, %cond3A_557#7 : vector<16xf32>
            scf.yield %cond3A_557#0, %cond3A_557#1, %select_n3A_596, %select_n3A_597, %select_n3A_598, %select_n3A_599, %select_n3A_600, %select_n3A_601 : i32, i32, vector<16xf32>, vector<16xf32>, vector<16xf32>, vector<16xf32>, vector<16xf32>, vector<16xf32>
          }
          %scan3A_541 = arith.constant 128 : i32
          scf.yield %scan3A_540#0, %scan3A_540#1, %scan3A_540#2, %scan3A_540#3, %scan3A_540#4, %scan3A_540#5, %scan3A_540#6, %scan3A_540#7 : i32, i32, vector<16xf32>, vector<16xf32>, vector<16xf32>, vector<16xf32>, vector<16xf32>, vector<16xf32>
        } else {
          %scan3A_536 = arith.constant 0 : i32
          %scan3A_537 = arith.constant 128 : i32
          %scan3A_538 = arith.addi %scan3A_536, %scan3A_537 : i32
          %scan3A_539 = arith.constant 1 : i32
          %scan3A_540:8 = scf.for %scan3A_542 = %scan3A_536 to %scan3A_538 step %scan3A_539 iter_args(%scan3A_543 = %cond3A_502#0, %scan3A_544 = %cond3A_502#1, %scan3A_545 = %cond3A_502#2, %scan3A_546 = %cond3A_502#3, %scan3A_547 = %cond3A_502#4, %scan3A_548 = %cond3A_502#5, %scan3A_549 = %cond3A_502#6, %scan3A_550 = %cond3A_502#7) -> (i32, i32, vector<16xf32>, vector<16xf32>, vector<16xf32>, vector<16xf32>, vector<16xf32>, vector<16xf32>)  : i32 {
            %add3A_551 = arith.addi %add3A_520, %scan3A_542 : i32
            %le3A = arith.cmpi sle, %scan3A_544, %add3A_551 : i32
            %convert_element_type3A_552 = arith.extui %le3A : i1 to i32
            %cond3A_553 = arith.constant 0 : i32
            %cond3A_554 = arith.cmpi ne, %convert_element_type3A_552, %cond3A_553 : i32
            %cond3A_555:8 = scf.if %cond3A_554 -> (i32, i32, vector<16xf32>, vector<16xf32>, vector<16xf32>, vector<16xf32>, vector<16xf32>, vector<16xf32>) {
              %swap3A_592 = arith.index_cast %scan3A_543 : i32 to index
              %swap3A_593 = arith.constant 0 : index
              %swap3A_594 = tpu.vector_load %arg14[%swap3A_592, %swap3A_593] {strides = array<i32>} : memref<256x128xf32, #tpu.memory_space<vmem>>, vector<16xf32>,
              tpu.vector_store %arg14[%swap3A_592, %swap3A_593], %scan3A_545 {strides = array<i32>} : memref<256x128xf32, #tpu.memory_space<vmem>>, vector<16xf32>,
              %swap3A_595 = arith.index_cast %scan3A_543 : i32 to index
              %swap3A_596 = arith.constant 48 : index
              %swap3A_597 = tpu.vector_load %arg14[%swap3A_595, %swap3A_596] {strides = array<i32>} : memref<256x128xf32, #tpu.memory_space<vmem>>, vector<16xf32>,
              tpu.vector_store %arg14[%swap3A_595, %swap3A_596], %scan3A_548 {strides = array<i32>} : memref<256x128xf32, #tpu.memory_space<vmem>>, vector<16xf32>,
              %swap3A_598 = arith.index_cast %scan3A_543 : i32 to index
              %swap3A_599 = arith.constant 16 : index
              %swap3A_600 = tpu.vector_load %arg14[%swap3A_598, %swap3A_599] {strides = array<i32>} : memref<256x128xf32, #tpu.memory_space<vmem>>, vector<16xf32>,
              tpu.vector_store %arg14[%swap3A_598, %swap3A_599], %scan3A_546 {strides = array<i32>} : memref<256x128xf32, #tpu.memory_space<vmem>>, vector<16xf32>,
              %swap3A_601 = arith.index_cast %scan3A_543 : i32 to index
              %swap3A_602 = arith.constant 64 : index
              %swap3A_603 = tpu.vector_load %arg14[%swap3A_601, %swap3A_602] {strides = array<i32>} : memref<256x128xf32, #tpu.memory_space<vmem>>, vector<16xf32>,
              tpu.vector_store %arg14[%swap3A_601, %swap3A_602], %scan3A_549 {strides = array<i32>} : memref<256x128xf32, #tpu.memory_space<vmem>>, vector<16xf32>,
              %swap3A_604 = arith.index_cast %scan3A_543 : i32 to index
              %swap3A_605 = arith.constant 32 : index
              %swap3A_606 = tpu.vector_load %arg14[%swap3A_604, %swap3A_605] {strides = array<i32>} : memref<256x128xf32, #tpu.memory_space<vmem>>, vector<16xf32>,
              tpu.vector_store %arg14[%swap3A_604, %swap3A_605], %scan3A_547 {strides = array<i32>} : memref<256x128xf32, #tpu.memory_space<vmem>>, vector<16xf32>,
              %swap3A_607 = arith.index_cast %scan3A_543 : i32 to index
              %swap3A_608 = arith.constant 80 : index
              %swap3A_609 = tpu.vector_load %arg14[%swap3A_607, %swap3A_608] {strides = array<i32>} : memref<256x128xf32, #tpu.memory_space<vmem>>, vector<16xf32>,
              tpu.vector_store %arg14[%swap3A_607, %swap3A_608], %scan3A_550 {strides = array<i32>} : memref<256x128xf32, #tpu.memory_space<vmem>>, vector<16xf32>,
              %add3A_610 = arith.constant 1 : i32
              %add3A_611 = arith.addi %scan3A_543, %add3A_610 : i32
              %get3A_612 = arith.index_cast %add3A_611 : i32 to index
              %get3A_613 = tpu.vector_load %arg10[%get3A_612] {strides = array<i32>} : memref<272xi32, #tpu.memory_space<vmem>>, vector<16xi32>,
              %sub3A_614 = vector.broadcast %add3A_551 : i32 to vector<16xi32>
              %sub3A_615 = arith.subi %sub3A_614, %get3A_613 : vector<16xi32>
              %add3A_616 = arith.constant 1 : i32
              %add3A_617 = vector.broadcast %add3A_616 : i32 to vector<16xi32>
              %add3A_618 = arith.addi %sub3A_615, %add3A_617 : vector<16xi32>
              %max3A_619 = arith.constant 0 : i32
              %max3A_620 = vector.broadcast %max3A_619 : i32 to vector<16xi32>
              %max3A_621 = arith.maxsi %add3A_618, %max3A_620 : vector<16xi32>
              %min3A_622 = arith.constant 1 : i32
              %min3A_623 = vector.broadcast %min3A_622 : i32 to vector<16xi32>
              %min3A_624 = arith.minsi %max3A_621, %min3A_623 : vector<16xi32>
              %reduce_sum3A = arith.constant true
              %reduce_sum3A_625 = vector.broadcast %reduce_sum3A : i1 to vector<16xi1>
              %reduce_sum3A_626 = tpu.scan <sum>, %min3A_624 masked %reduce_sum3A_625 : vector<16xi32>, vector<16xi1> -> vector<16xi32>
              %reduce_sum3A_627 = vector.extract %reduce_sum3A_626[15] : i32 from vector<16xi32>
              %add3A_628 = arith.addi %scan3A_543, %reduce_sum3A_627 : i32
              %min3A_629 = arith.constant 255 : i32
              %min3A_630 = arith.minsi %add3A_628, %min3A_629 : i32
              %sub3A_631 = arith.subi %min3A_630, %scan3A_543 : i32
              %eq3A_632 = arith.constant 16 : i32
              %eq3A_633 = arith.cmpi eq, %sub3A_631, %eq3A_632 : i32
              %convert_element_type3A_634 = arith.extui %eq3A_633 : i1 to i32
              %cond3A_635 = arith.constant 0 : i32
              %cond3A_636 = arith.cmpi ne, %convert_element_type3A_634, %cond3A_635 : i32
              %cond3A_637 = scf.if %cond3A_636 -> (i32) {
                %scan3A_648 = arith.constant 0 : i32
                %scan3A_649 = arith.constant 15 : i32
                %scan3A_650 = arith.addi %scan3A_648, %scan3A_649 : i32
                %scan3A_651 = arith.constant 1 : i32
                %scan3A_652 = scf.for %scan3A_654 = %scan3A_648 to %scan3A_650 step %scan3A_651 iter_args(%scan3A_655 = %min3A_630) -> (i32)  : i32 {
                  %add3A_656 = arith.constant 1 : i32
                  %add3A_657 = arith.addi %scan3A_655, %add3A_656 : i32
                  %get3A_658 = arith.index_cast %add3A_657 : i32 to index
                  %get3A_659 = tpu.vector_load %arg10[%get3A_658] {strides = array<i32>} : memref<272xi32, #tpu.memory_space<vmem>>, vector<16xi32>,
                  %sub3A_660 = vector.broadcast %add3A_551 : i32 to vector<16xi32>
                  %sub3A_661 = arith.subi %sub3A_660, %get3A_659 : vector<16xi32>
                  %add3A_662 = arith.constant 1 : i32
                  %add3A_663 = vector.broadcast %add3A_662 : i32 to vector<16xi32>
                  %add3A_664 = arith.addi %sub3A_661, %add3A_663 : vector<16xi32>
                  %max3A_665 = arith.constant 0 : i32
                  %max3A_666 = vector.broadcast %max3A_665 : i32 to vector<16xi32>
                  %max3A_667 = arith.maxsi %add3A_664, %max3A_666 : vector<16xi32>
                  %min3A_668 = arith.constant 1 : i32
                  %min3A_669 = vector.broadcast %min3A_668 : i32 to vector<16xi32>
                  %min3A_670 = arith.minsi %max3A_667, %min3A_669 : vector<16xi32>
                  %reduce_sum3A_671 = arith.constant true
                  %reduce_sum3A_672 = vector.broadcast %reduce_sum3A_671 : i1 to vector<16xi1>
                  %reduce_sum3A_673 = tpu.scan <sum>, %min3A_670 masked %reduce_sum3A_672 : vector<16xi32>, vector<16xi1> -> vector<16xi32>
                  %reduce_sum3A_674 = vector.extract %reduce_sum3A_673[15] : i32 from vector<16xi32>
                  %add3A_675 = arith.addi %scan3A_655, %reduce_sum3A_674 : i32
                  %min3A_676 = arith.constant 255 : i32
                  %min3A_677 = arith.minsi %add3A_675, %min3A_676 : i32
                  scf.yield %min3A_677 : i32
                }
                %scan3A_653 = arith.constant 15 : i32
                scf.yield %scan3A_652 : i32
              } else {
                scf.yield %min3A_630 : i32
              }
              %add3A_638 = arith.constant 1 : i32
              %add3A_639 = arith.addi %cond3A_637, %add3A_638 : i32
              %get3A_640 = arith.index_cast %add3A_639 : i32 to index
              %get3A_641 = tpu.vector_load %arg10[%get3A_640] {strides = array<i32>} : memref<272xi32, #tpu.memory_space<vmem>>, vector<16xi32>,
              %slice3A_642 = vector.extract_strided_slice %get3A_641 {offsets = [0], sizes = [1], strides = [1]} : vector<16xi32> to vector<1xi32>
              %squeeze3A_643 = vector.extract %slice3A_642[0] : i32 from vector<1xi32>
              %broadcast_in_dim3A_644 = arith.constant 1.000000e+00 : f32
              %broadcast_in_dim3A_645 = vector.broadcast %broadcast_in_dim3A_644 : f32 to vector<16xf32>
              %broadcast_in_dim3A_646 = arith.constant 0.000000e+00 : f32
              %broadcast_in_dim3A_647 = vector.broadcast %broadcast_in_dim3A_646 : f32 to vector<16xf32>
              scf.yield %cond3A_637, %squeeze3A_643, %broadcast_in_dim3A_645, %broadcast_in_dim3A_645, %broadcast_in_dim3A_645, %broadcast_in_dim3A_647, %broadcast_in_dim3A_647, %broadcast_in_dim3A_647 : i32, i32, vector<16xf32>, vector<16xf32>, vector<16xf32>, vector<16xf32>, vector<16xf32>, vector<16xf32>
            } else {
              scf.yield %scan3A_543, %scan3A_544, %scan3A_545, %scan3A_546, %scan3A_547, %scan3A_548, %scan3A_549, %scan3A_550 : i32, i32, vector<16xf32>, vector<16xf32>, vector<16xf32>, vector<16xf32>, vector<16xf32>, vector<16xf32>
            }
            %get3A_556 = arith.index_cast %scan3A_542 : i32 to index
            %get3A_557 = arith.constant 0 : index
            %get3A_558 = tpu.vector_load %arg13[%get3A_556, %get3A_557] {strides = array<i32>} : memref<128x128xf32, #tpu.memory_space<vmem>>, vector<16xf32>,
            %get3A_559 = arith.index_cast %scan3A_542 : i32 to index
            %get3A_560 = arith.constant 16 : index
            %get3A_561 = tpu.vector_load %arg13[%get3A_559, %get3A_560] {strides = array<i32>} : memref<128x128xf32, #tpu.memory_space<vmem>>, vector<16xf32>,
            %get3A_562 = arith.index_cast %scan3A_542 : i32 to index
            %get3A_563 = arith.constant 32 : index
            %get3A_564 = tpu.vector_load %arg13[%get3A_562, %get3A_563] {strides = array<i32>} : memref<128x128xf32, #tpu.memory_space<vmem>>, vector<16xf32>,
            %get3A_565 = arith.index_cast %scan3A_542 : i32 to index
            %get3A_566 = arith.constant 48 : index
            %get3A_567 = tpu.vector_load %arg13[%get3A_565, %get3A_566] {strides = array<i32>} : memref<128x128xf32, #tpu.memory_space<vmem>>, vector<16xf32>,
            %get3A_568 = arith.index_cast %scan3A_542 : i32 to index
            %get3A_569 = arith.constant 64 : index
            %get3A_570 = tpu.vector_load %arg13[%get3A_568, %get3A_569] {strides = array<i32>} : memref<128x128xf32, #tpu.memory_space<vmem>>, vector<16xf32>,
            %get3A_571 = arith.index_cast %scan3A_542 : i32 to index
            %get3A_572 = arith.constant 80 : index
            %get3A_573 = tpu.vector_load %arg13[%get3A_571, %get3A_572] {strides = array<i32>} : memref<128x128xf32, #tpu.memory_space<vmem>>, vector<16xf32>,
            %mul3A_574 = arith.mulf %cond3A_555#2, %get3A_558 : vector<16xf32>
            %mul3A_575 = arith.mulf %cond3A_555#5, %get3A_567 : vector<16xf32>
            %sub3A_576 = arith.subf %mul3A_574, %mul3A_575 : vector<16xf32>
            %mul3A_577 = arith.mulf %cond3A_555#3, %get3A_561 : vector<16xf32>
            %mul3A_578 = arith.mulf %cond3A_555#6, %get3A_570 : vector<16xf32>
            %sub3A_579 = arith.subf %mul3A_577, %mul3A_578 : vector<16xf32>
            %mul3A_580 = arith.mulf %cond3A_555#4, %get3A_564 : vector<16xf32>
            %mul3A_581 = arith.mulf %cond3A_555#7, %get3A_573 : vector<16xf32>
            %sub3A_582 = arith.subf %mul3A_580, %mul3A_581 : vector<16xf32>
            %mul3A_583 = arith.mulf %cond3A_555#2, %get3A_567 : vector<16xf32>
            %mul3A_584 = arith.mulf %cond3A_555#5, %get3A_558 : vector<16xf32>
            %add3A_585 = arith.addf %mul3A_583, %mul3A_584 : vector<16xf32>
            %mul3A_586 = arith.mulf %cond3A_555#3, %get3A_570 : vector<16xf32>
            %mul3A_587 = arith.mulf %cond3A_555#6, %get3A_561 : vector<16xf32>
            %add3A_588 = arith.addf %mul3A_586, %mul3A_587 : vector<16xf32>
            %mul3A_589 = arith.mulf %cond3A_555#4, %get3A_573 : vector<16xf32>
            %mul3A_590 = arith.mulf %cond3A_555#7, %get3A_564 : vector<16xf32>
            %add3A_591 = arith.addf %mul3A_589, %mul3A_590 : vector<16xf32>
            scf.yield %cond3A_555#0, %cond3A_555#1, %sub3A_576, %sub3A_579, %sub3A_582, %add3A_585, %add3A_588, %add3A_591 : i32, i32, vector<16xf32>, vector<16xf32>, vector<16xf32>, vector<16xf32>, vector<16xf32>, vector<16xf32>
          }
          %scan3A_541 = arith.constant 128 : i32
          scf.yield %scan3A_540#0, %scan3A_540#1, %scan3A_540#2, %scan3A_540#3, %scan3A_540#4, %scan3A_540#5, %scan3A_540#6, %scan3A_540#7 : i32, i32, vector<16xf32>, vector<16xf32>, vector<16xf32>, vector<16xf32>, vector<16xf32>, vector<16xf32>
        }
        %add3A_530 = arith.constant 2 : i32
        %add3A_531 = arith.addi %add3A_511, %add3A_530 : i32
        %lt3A_532 = arith.cmpi slt, %add3A_531, %select_n3A_459 : i32
        %convert_element_type3A_533 = arith.extui %lt3A_532 : i1 to i32
        %cond3A_534 = arith.constant 0 : i32
        %cond3A_535 = arith.cmpi ne, %convert_element_type3A_533, %cond3A_534 : i32
        scf.if %cond3A_535 {
          %add3A_536 = arith.constant 2 : i32
          %add3A_537 = arith.addi %add3A_511, %add3A_536 : i32
          %mul3A_538 = arith.constant 128 : i32
          %mul3A_539 = arith.muli %add3A_537, %mul3A_538 : i32
          %add3A_540 = arith.addi %mul3A_430, %mul3A_539 : i32
          %dma_start3A = tpu.memref_slice %arg9[%add3A_540] : memref<32904xi32, #tpu.memory_space<vmem>> -> memref<128xi32, #tpu.memory_space<vmem>>
          %dma_start3A_541 = arith.constant 0 : i32
          %dma_start3A_542 = arith.constant 0 : i32
          %dma_start3A_543 = tpu.memref_slice %arg2[%dma_start3A_541, %dma_start3A_542] : memref<50176x128xf32, #tpu.memory_space<hbm>> -> memref<50176x128xf32, #tpu.memory_space<hbm>>
          tpu.enqueue_indirect_dma source(%dma_start3A_543 : memref<50176x128xf32, #tpu.memory_space<hbm>>) target(%arg13 : memref<128x128xf32, #tpu.memory_space<vmem>>) offsets(%dma_start3A : memref<128xi32, #tpu.memory_space<vmem>>) semaphore(%arg18 : memref<!tpu.dma_semaphore, #tpu.memory_space<semaphore_mem>>)
        } else {
        }
        scf.yield %cond3A_529#0, %cond3A_529#1, %cond3A_529#2, %cond3A_529#3, %cond3A_529#4, %cond3A_529#5, %cond3A_529#6, %cond3A_529#7 : i32, i32, vector<16xf32>, vector<16xf32>, vector<16xf32>, vector<16xf32>, vector<16xf32>, vector<16xf32>
      } else {
        scf.yield %cond3A_502#0, %cond3A_502#1, %cond3A_502#2, %cond3A_502#3, %cond3A_502#4, %cond3A_502#5, %cond3A_502#6, %cond3A_502#7 : i32, i32, vector<16xf32>, vector<16xf32>, vector<16xf32>, vector<16xf32>, vector<16xf32>, vector<16xf32>
      }
      scf.yield %cond3A_509#0, %cond3A_509#1, %cond3A_509#2, %cond3A_509#3, %cond3A_509#4, %cond3A_509#5, %cond3A_509#6, %cond3A_509#7 : i32, i32, vector<16xf32>, vector<16xf32>, vector<16xf32>, vector<16xf32>, vector<16xf32>, vector<16xf32>
    }
    %scan3A_481 = arith.constant 129 : i32
    %mul3A_482 = arith.constant 128 : i32
    %mul3A_483 = arith.muli %select_n3A_459, %mul3A_482 : i32
    %add3A_484 = arith.addi %mul3A_430, %mul3A_483 : i32
    %eq3A = arith.cmpi eq, %add3A_484, %squeeze3A_410 : i32
    %convert_element_type3A_485 = arith.extui %eq3A : i1 to i32
    %cond3A_486 = arith.constant 0 : i32
    %cond3A_487 = arith.cmpi ne, %convert_element_type3A_485, %cond3A_486 : i32
    scf.if %cond3A_487 {
      %swap3A_488 = arith.index_cast %scan3A_480#0 : i32 to index
      %swap3A_489 = arith.constant 0 : index
      %swap3A_490 = tpu.vector_load %arg14[%swap3A_488, %swap3A_489] {strides = array<i32>} : memref<256x128xf32, #tpu.memory_space<vmem>>, vector<16xf32>,
      tpu.vector_store %arg14[%swap3A_488, %swap3A_489], %scan3A_480#2 {strides = array<i32>} : memref<256x128xf32, #tpu.memory_space<vmem>>, vector<16xf32>,
      %swap3A_491 = arith.index_cast %scan3A_480#0 : i32 to index
      %swap3A_492 = arith.constant 48 : index
      %swap3A_493 = tpu.vector_load %arg14[%swap3A_491, %swap3A_492] {strides = array<i32>} : memref<256x128xf32, #tpu.memory_space<vmem>>, vector<16xf32>,
      tpu.vector_store %arg14[%swap3A_491, %swap3A_492], %scan3A_480#5 {strides = array<i32>} : memref<256x128xf32, #tpu.memory_space<vmem>>, vector<16xf32>,
      %swap3A_494 = arith.index_cast %scan3A_480#0 : i32 to index
      %swap3A_495 = arith.constant 16 : index
      %swap3A_496 = tpu.vector_load %arg14[%swap3A_494, %swap3A_495] {strides = array<i32>} : memref<256x128xf32, #tpu.memory_space<vmem>>, vector<16xf32>,
      tpu.vector_store %arg14[%swap3A_494, %swap3A_495], %scan3A_480#3 {strides = array<i32>} : memref<256x128xf32, #tpu.memory_space<vmem>>, vector<16xf32>,
      %swap3A_497 = arith.index_cast %scan3A_480#0 : i32 to index
      %swap3A_498 = arith.constant 64 : index
      %swap3A_499 = tpu.vector_load %arg14[%swap3A_497, %swap3A_498] {strides = array<i32>} : memref<256x128xf32, #tpu.memory_space<vmem>>, vector<16xf32>,
      tpu.vector_store %arg14[%swap3A_497, %swap3A_498], %scan3A_480#6 {strides = array<i32>} : memref<256x128xf32, #tpu.memory_space<vmem>>, vector<16xf32>,
      %swap3A_500 = arith.index_cast %scan3A_480#0 : i32 to index
      %swap3A_501 = arith.constant 32 : index
      %swap3A_502 = tpu.vector_load %arg14[%swap3A_500, %swap3A_501] {strides = array<i32>} : memref<256x128xf32, #tpu.memory_space<vmem>>, vector<16xf32>,
      tpu.vector_store %arg14[%swap3A_500, %swap3A_501], %scan3A_480#4 {strides = array<i32>} : memref<256x128xf32, #tpu.memory_space<vmem>>, vector<16xf32>,
      %swap3A_503 = arith.index_cast %scan3A_480#0 : i32 to index
      %swap3A_504 = arith.constant 80 : index
      %swap3A_505 = tpu.vector_load %arg14[%swap3A_503, %swap3A_504] {strides = array<i32>} : memref<256x128xf32, #tpu.memory_space<vmem>>, vector<16xf32>,
      tpu.vector_store %arg14[%swap3A_503, %swap3A_504], %scan3A_480#7 {strides = array<i32>} : memref<256x128xf32, #tpu.memory_space<vmem>>, vector<16xf32>,
    } else {
    }
    "tpu.region"() ({
      %run_scoped3A = tpu.sem_alloc : memref<!tpu.dma_semaphore, #tpu.memory_space<semaphore_mem>>
      %dma_start3A = arith.constant 0 : i32
      %dma_start3A_488 = tpu.memref_slice %arg6[%multiple_of3A, %dma_start3A] : memref<8192x128xf32, #tpu.memory_space<hbm>> -> memref<256x128xf32, #tpu.memory_space<hbm>>
      %dma_start3A_489 = arith.constant 0 : i32
      %dma_start3A_490 = tpu.memref_slice %arg6[%multiple_of3A, %dma_start3A_489] : memref<8192x128xf32, #tpu.memory_space<hbm>> -> memref<256x128xf32, #tpu.memory_space<hbm>>
      tpu.enqueue_dma source(%arg14 : memref<256x128xf32, #tpu.memory_space<vmem>>) target(%dma_start3A_490 : memref<256x128xf32, #tpu.memory_space<hbm>>) target_semaphore(%run_scoped3A : memref<!tpu.dma_semaphore, #tpu.memory_space<semaphore_mem>>)
      %dma_wait3A = arith.constant 0 : i32
      %dma_wait3A_491 = tpu.memref_slice %arg6[%multiple_of3A, %dma_wait3A] : memref<8192x128xf32, #tpu.memory_space<hbm>> -> memref<256x128xf32, #tpu.memory_space<hbm>>
      %dma_wait3A_492 = arith.constant 0 : i32
      %dma_wait3A_493 = tpu.memref_slice %arg6[%multiple_of3A, %dma_wait3A_492] : memref<8192x128xf32, #tpu.memory_space<hbm>> -> memref<256x128xf32, #tpu.memory_space<hbm>>
      tpu.wait_dma2 semaphore(%run_scoped3A : memref<!tpu.dma_semaphore, #tpu.memory_space<semaphore_mem>>) src(%arg14 : memref<256x128xf32, #tpu.memory_space<vmem>>) dst(%dma_wait3A_493 : memref<256x128xf32, #tpu.memory_space<hbm>>)
      tpu.yield
    }) : () -> ()
    return
  }
}

module attributes {stable_mosaic.version = 14 : i64} {
  func.func @_stage_a2(%arg0: i32, %arg1: memref<2x1024xf32, #tpu.memory_space<vmem>>, %arg2: memref<64x1024xf32, #tpu.memory_space<vmem>>) attributes {dimension_semantics = [#tpu.dimension_semantics<arbitrary>], iteration_bounds = array<i64: 49>, scalar_prefetch = 0 : i64, scratch_operands = 0 : i64, tpu.core_type = #tpu.core_type<tc>, window_params = [{transform_indices = @transform_0, window_bounds = array<i64: 2, 1024>}, {transform_indices = @transform_1, window_bounds = array<i64: 64, 1024>}]} {
    %get3A = arith.constant 0 : index
    %get3A_0 = arith.constant 0 : index
    %get3A_1 = vector.load %arg1[%get3A, %get3A_0] : memref<2x1024xf32, #tpu.memory_space<vmem>>, vector<2x1024xf32>
    %slice3A = vector.extract_strided_slice %get3A_1 {offsets = [0, 0], sizes = [1, 1024], strides = [1, 1]} : vector<2x1024xf32> to vector<1x1024xf32>
    %max3A = arith.constant 0.000000e+00 : f32
    %max3A_2 = vector.broadcast %max3A : f32 to vector<1x1024xf32>
    %max3A_3 = arith.maximumf %slice3A, %max3A_2 : vector<1x1024xf32>
    %abs3A = math.absf %slice3A : vector<1x1024xf32>
    %neg3A = arith.constant 0.000000e+00 : f32
    %neg3A_4 = vector.broadcast %neg3A : f32 to vector<1x1024xf32>
    %neg3A_5 = arith.subf %neg3A_4, %abs3A : vector<1x1024xf32>
    %exp3A = math.exp %neg3A_5 : vector<1x1024xf32>
    %log1p3A = math.log1p %exp3A : vector<1x1024xf32>
    %add3A = arith.addf %max3A_3, %log1p3A : vector<1x1024xf32>
    %add3A_6 = arith.constant 5.000000e-01 : f32
    %add3A_7 = vector.broadcast %add3A_6 : f32 to vector<1x1024xf32>
    %add3A_8 = arith.addf %add3A, %add3A_7 : vector<1x1024xf32>
    %slice3A_9 = vector.extract_strided_slice %get3A_1 {offsets = [1, 0], sizes = [1, 1024], strides = [1, 1]} : vector<2x1024xf32> to vector<1x1024xf32>
    %max3A_10 = arith.constant 0.000000e+00 : f32
    %max3A_11 = vector.broadcast %max3A_10 : f32 to vector<1x1024xf32>
    %max3A_12 = arith.maximumf %slice3A_9, %max3A_11 : vector<1x1024xf32>
    %abs3A_13 = math.absf %slice3A_9 : vector<1x1024xf32>
    %neg3A_14 = arith.constant 0.000000e+00 : f32
    %neg3A_15 = vector.broadcast %neg3A_14 : f32 to vector<1x1024xf32>
    %neg3A_16 = arith.subf %neg3A_15, %abs3A_13 : vector<1x1024xf32>
    %exp3A_17 = math.exp %neg3A_16 : vector<1x1024xf32>
    %log1p3A_18 = math.log1p %exp3A_17 : vector<1x1024xf32>
    %add3A_19 = arith.addf %max3A_12, %log1p3A_18 : vector<1x1024xf32>
    %add3A_20 = arith.constant 1.000000e-01 : f32
    %add3A_21 = vector.broadcast %add3A_20 : f32 to vector<1x1024xf32>
    %add3A_22 = arith.addf %add3A_19, %add3A_21 : vector<1x1024xf32>
    %iota3A = tpu.iota {dimensions = array<i32: 0>} : vector<64x1xi32>
    %convert_element_type3A = arith.sitofp %iota3A : vector<64x1xi32> to vector<64x1xf32>
    %sub3A = arith.constant 6.400000e+01 : f32
    %sub3A_23 = vector.broadcast %sub3A : f32 to vector<64x1xf32>
    %sub3A_24 = arith.subf %sub3A_23, %convert_element_type3A : vector<64x1xf32>
    %log3A = math.log %sub3A_24 : vector<64x1xf32>
    %mul3A = vector.broadcast %add3A_8 : vector<1x1024xf32> to vector<64x1024xf32>
    %mul3A_25 = vector.broadcast %log3A : vector<64x1xf32> to vector<64x1024xf32>
    %mul3A_26 = arith.mulf %mul3A, %mul3A_25 : vector<64x1024xf32>
    %mul3A_27 = vector.broadcast %add3A_22 : vector<1x1024xf32> to vector<64x1024xf32>
    %mul3A_28 = vector.broadcast %sub3A_24 : vector<64x1xf32> to vector<64x1024xf32>
    %mul3A_29 = arith.mulf %mul3A_27, %mul3A_28 : vector<64x1024xf32>
    %sub3A_30 = arith.subf %mul3A_26, %mul3A_29 : vector<64x1024xf32>
    %exp3A_31 = math.exp %sub3A_30 : vector<64x1024xf32>
    %reduce_sum3A = arith.constant dense<0.000000e+00> : vector<1024xf32>
    %reduce_sum3A_32 = vector.multi_reduction <add>, %exp3A_31, %reduce_sum3A [0] : vector<64x1024xf32> to vector<1024xf32>
    %broadcast_in_dim3A = vector.shape_cast %reduce_sum3A_32 : vector<1024xf32> to vector<1x1024xf32>
    %mul3A_33 = arith.constant 1.000000e+00 : f32
    %mul3A_34 = vector.broadcast %mul3A_33 : f32 to vector<1x1024xf32>
    %mul3A_35 = arith.mulf %broadcast_in_dim3A, %mul3A_34 : vector<1x1024xf32>
    %add3A_36 = arith.constant 9.99999968E-21 : f32
    %add3A_37 = vector.broadcast %add3A_36 : f32 to vector<1x1024xf32>
    %add3A_38 = arith.addf %mul3A_35, %add3A_37 : vector<1x1024xf32>
    %div3A = arith.constant 1.000000e+00 : f32
    %div3A_39 = vector.broadcast %div3A : f32 to vector<1x1024xf32>
    %div3A_40 = arith.divf %div3A_39, %add3A_38 : vector<1x1024xf32>
    %mul3A_41 = vector.broadcast %div3A_40 : vector<1x1024xf32> to vector<64x1024xf32>
    %mul3A_42 = arith.mulf %exp3A_31, %mul3A_41 : vector<64x1024xf32>
    %swap3A = arith.constant 0 : index
    %swap3A_43 = arith.constant 0 : index
    %swap3A_44 = vector.load %arg2[%swap3A, %swap3A_43] : memref<64x1024xf32, #tpu.memory_space<vmem>>, vector<64x1024xf32>
    tpu.vector_store %arg2[%swap3A, %swap3A_43], %mul3A_42 {strides = array<i32>} : memref<64x1024xf32, #tpu.memory_space<vmem>>, vector<64x1024xf32>,
    return
  }
  func.func @transform_0(%arg0: i32) -> (i32, i32) {
    %c0_i32 = arith.constant 0 : i32
    %c0_i32_0 = arith.constant 0 : i32
    return %c0_i32, %arg0 : i32, i32
  }
  func.func @transform_1(%arg0: i32) -> (i32, i32) {
    %add3A = arith.constant 8 : i32
    %add3A_0 = arith.addi %arg0, %add3A : i32
    %c0_i32 = arith.constant 0 : i32
    %c0_i32_1 = arith.constant 0 : i32
    return %c0_i32, %add3A_0 : i32, i32
  }
}

module attributes {stable_mosaic.version = 14 : i64} {
  func.func @_stage_a1(%arg0: i32, %arg1: memref<1024x2xf32, #tpu.memory_space<vmem>>, %arg2: memref<64x128xf32, #tpu.memory_space<vmem>>, %arg3: memref<1024x128xf32, #tpu.memory_space<vmem>>) attributes {dimension_semantics = [#tpu.dimension_semantics<arbitrary>], iteration_bounds = array<i64: 49>, scalar_prefetch = 0 : i64, scratch_operands = 0 : i64, tpu.core_type = #tpu.core_type<tc>, window_params = [{transform_indices = @transform_0, window_bounds = array<i64: 1024, 2>}, {pipeline_mode = #tpu.pipeline_mode<synchronous>, transform_indices = @transform_1, window_bounds = array<i64: 64, 128>}, {transform_indices = @transform_2, window_bounds = array<i64: 1024, 128>}]} {
    %get3A = arith.constant 0 : index
    %get3A_0 = arith.constant 0 : index
    %get3A_1 = vector.load %arg1[%get3A, %get3A_0] : memref<1024x2xf32, #tpu.memory_space<vmem>>, vector<1024x2xf32>
    %slice3A = vector.extract_strided_slice %get3A_1 {offsets = [0, 0], sizes = [1024, 1], strides = [1, 1]} : vector<1024x2xf32> to vector<1024x1xf32>
    %max3A = arith.constant 0.000000e+00 : f32
    %max3A_2 = vector.broadcast %max3A : f32 to vector<1024x1xf32>
    %max3A_3 = arith.maximumf %slice3A, %max3A_2 : vector<1024x1xf32>
    %abs3A = math.absf %slice3A : vector<1024x1xf32>
    %neg3A = arith.constant 0.000000e+00 : f32
    %neg3A_4 = vector.broadcast %neg3A : f32 to vector<1024x1xf32>
    %neg3A_5 = arith.subf %neg3A_4, %abs3A : vector<1024x1xf32>
    %exp3A = math.exp %neg3A_5 : vector<1024x1xf32>
    %log1p3A = math.log1p %exp3A : vector<1024x1xf32>
    %add3A = arith.addf %max3A_3, %log1p3A : vector<1024x1xf32>
    %add3A_6 = arith.constant 5.000000e-01 : f32
    %add3A_7 = vector.broadcast %add3A_6 : f32 to vector<1024x1xf32>
    %add3A_8 = arith.addf %add3A, %add3A_7 : vector<1024x1xf32>
    %slice3A_9 = vector.extract_strided_slice %get3A_1 {offsets = [0, 1], sizes = [1024, 1], strides = [1, 1]} : vector<1024x2xf32> to vector<1024x1xf32>
    %max3A_10 = arith.constant 0.000000e+00 : f32
    %max3A_11 = vector.broadcast %max3A_10 : f32 to vector<1024x1xf32>
    %max3A_12 = arith.maximumf %slice3A_9, %max3A_11 : vector<1024x1xf32>
    %abs3A_13 = math.absf %slice3A_9 : vector<1024x1xf32>
    %neg3A_14 = arith.constant 0.000000e+00 : f32
    %neg3A_15 = vector.broadcast %neg3A_14 : f32 to vector<1024x1xf32>
    %neg3A_16 = arith.subf %neg3A_15, %abs3A_13 : vector<1024x1xf32>
    %exp3A_17 = math.exp %neg3A_16 : vector<1024x1xf32>
    %log1p3A_18 = math.log1p %exp3A_17 : vector<1024x1xf32>
    %add3A_19 = arith.addf %max3A_12, %log1p3A_18 : vector<1024x1xf32>
    %add3A_20 = arith.constant 1.000000e-01 : f32
    %add3A_21 = vector.broadcast %add3A_20 : f32 to vector<1024x1xf32>
    %add3A_22 = arith.addf %add3A_19, %add3A_21 : vector<1024x1xf32>
    %iota3A = tpu.iota {dimensions = array<i32: 1>} : vector<1x64xi32>
    %convert_element_type3A = arith.sitofp %iota3A : vector<1x64xi32> to vector<1x64xf32>
    %add3A_23 = arith.constant 1.000000e+00 : f32
    %add3A_24 = vector.broadcast %add3A_23 : f32 to vector<1x64xf32>
    %add3A_25 = arith.addf %convert_element_type3A, %add3A_24 : vector<1x64xf32>
    %log3A = math.log %add3A_25 : vector<1x64xf32>
    %mul3A = vector.broadcast %add3A_8 : vector<1024x1xf32> to vector<1024x64xf32>
    %mul3A_26 = vector.broadcast %log3A : vector<1x64xf32> to vector<1024x64xf32>
    %mul3A_27 = arith.mulf %mul3A, %mul3A_26 : vector<1024x64xf32>
    %mul3A_28 = vector.broadcast %add3A_22 : vector<1024x1xf32> to vector<1024x64xf32>
    %mul3A_29 = vector.broadcast %add3A_25 : vector<1x64xf32> to vector<1024x64xf32>
    %mul3A_30 = arith.mulf %mul3A_28, %mul3A_29 : vector<1024x64xf32>
    %sub3A = arith.subf %mul3A_27, %mul3A_30 : vector<1024x64xf32>
    %exp3A_31 = math.exp %sub3A : vector<1024x64xf32>
    %reduce_sum3A = arith.constant dense<0.000000e+00> : vector<1024xf32>
    %reduce_sum3A_32 = vector.multi_reduction <add>, %exp3A_31, %reduce_sum3A [1] : vector<1024x64xf32> to vector<1024xf32>
    %broadcast_in_dim3A = vector.shape_cast %reduce_sum3A_32 : vector<1024xf32> to vector<1024x1xf32>
    %add3A_33 = arith.constant 9.99999996E-13 : f32
    %add3A_34 = vector.broadcast %add3A_33 : f32 to vector<1024x1xf32>
    %add3A_35 = arith.addf %broadcast_in_dim3A, %add3A_34 : vector<1024x1xf32>
    %div3A = arith.constant 1.000000e+00 : f32
    %div3A_36 = vector.broadcast %div3A : f32 to vector<1024x1xf32>
    %div3A_37 = arith.divf %div3A_36, %add3A_35 : vector<1024x1xf32>
    %get3A_38 = arith.constant 0 : index
    %get3A_39 = arith.constant 0 : index
    %get3A_40 = vector.load %arg2[%get3A_38, %get3A_39] : memref<64x128xf32, #tpu.memory_space<vmem>>, vector<64x128xf32>
    %dot_general3A = arith.constant dense<0.000000e+00> : vector<1024x128xf32>
    %dot_general3A_41 = tpu.matmul %exp3A_31, %get3A_40, %dot_general3A {dimension_numbers = #tpu.dot_dimension_numbers<[1], [0], [0], [1], [0, 0, 1, 1], [], []>, transpose_lhs_hint = false} : vector<1024x64xf32>, vector<64x128xf32>, vector<1024x128xf32> -> vector<1024x128xf32>
    %mul3A_42 = vector.broadcast %div3A_37 : vector<1024x1xf32> to vector<1024x128xf32>
    %mul3A_43 = arith.mulf %dot_general3A_41, %mul3A_42 : vector<1024x128xf32>
    %swap3A = arith.constant 0 : index
    %swap3A_44 = arith.constant 0 : index
    %swap3A_45 = vector.load %arg3[%swap3A, %swap3A_44] : memref<1024x128xf32, #tpu.memory_space<vmem>>, vector<1024x128xf32>
    tpu.vector_store %arg3[%swap3A, %swap3A_44], %mul3A_43 {strides = array<i32>} : memref<1024x128xf32, #tpu.memory_space<vmem>>, vector<1024x128xf32>,
    return
  }
  func.func @transform_0(%arg0: i32) -> (i32, i32) {
    %c0_i32 = arith.constant 0 : i32
    %c0_i32_0 = arith.constant 0 : i32
    return %arg0, %c0_i32 : i32, i32
  }
  func.func @transform_1(%arg0: i32) -> (i32, i32) {
    %c0_i32 = arith.constant 0 : i32
    %c0_i32_0 = arith.constant 0 : i32
    %c0_i32_1 = arith.constant 0 : i32
    return %c0_i32, %c0_i32_0 : i32, i32
  }
  func.func @transform_2(%arg0: i32) -> (i32, i32) {
    %c0_i32 = arith.constant 0 : i32
    %c0_i32_0 = arith.constant 0 : i32
    return %arg0, %c0_i32 : i32, i32
  }
}

module attributes {stable_mosaic.version = 14 : i64} {
  func.func @_stage_c(%arg0: i32, %arg1: memref<512x128xf32, #tpu.memory_space<vmem>>, %arg2: memref<64x58192xf32, #tpu.memory_space<any>>, %arg3: memref<64x48xf32, #tpu.memory_space<vmem>>, %arg4: memref<64x48xf32, #tpu.memory_space<vmem>>, %arg5: memref<64x512xf32, #tpu.memory_space<vmem>>) attributes {dimension_semantics = [#tpu.dimension_semantics<arbitrary>], iteration_bounds = array<i64: 16>, scalar_prefetch = 0 : i64, scratch_operands = 0 : i64, tpu.core_type = #tpu.core_type<tc>, window_params = [{transform_indices = @transform_0, window_bounds = array<i64: 512, 128>}, {}, {pipeline_mode = #tpu.pipeline_mode<synchronous>, transform_indices = @transform_2, window_bounds = array<i64: 64, 48>}, {pipeline_mode = #tpu.pipeline_mode<synchronous>, transform_indices = @transform_3, window_bounds = array<i64: 64, 48>}, {transform_indices = @transform_4, window_bounds = array<i64: 64, 512>}]} {
    %get3A = arith.constant 0 : index
    %get3A_0 = arith.constant 0 : index
    %get3A_1 = vector.load %arg1[%get3A, %get3A_0] : memref<512x128xf32, #tpu.memory_space<vmem>>, vector<512x128xf32>
    %slice3A = vector.extract_strided_slice %get3A_1 {offsets = [0, 0], sizes = [512, 48], strides = [1, 1]} : vector<512x128xf32> to vector<512x48xf32>
    %slice3A_2 = vector.extract_strided_slice %get3A_1 {offsets = [0, 48], sizes = [512, 48], strides = [1, 1]} : vector<512x128xf32> to vector<512x48xf32>
    %get3A_3 = arith.constant 0 : index
    %get3A_4 = arith.constant 0 : index
    %get3A_5 = vector.load %arg3[%get3A_3, %get3A_4] : memref<64x48xf32, #tpu.memory_space<vmem>>, vector<64x48xf32>
    %dot_general3A = arith.constant dense<0.000000e+00> : vector<64x512xf32>
    %dot_general3A_6 = tpu.matmul %get3A_5, %slice3A, %dot_general3A {dimension_numbers = #tpu.dot_dimension_numbers<[1], [1], [0], [0], [0, 0, 1, 0], [], []>, transpose_lhs_hint = false} : vector<64x48xf32>, vector<512x48xf32>, vector<64x512xf32> -> vector<64x512xf32>
    %get3A_7 = arith.constant 0 : index
    %get3A_8 = arith.constant 0 : index
    %get3A_9 = vector.load %arg4[%get3A_7, %get3A_8] : memref<64x48xf32, #tpu.memory_space<vmem>>, vector<64x48xf32>
    %dot_general3A_10 = arith.constant dense<0.000000e+00> : vector<64x512xf32>
    %dot_general3A_11 = tpu.matmul %get3A_9, %slice3A_2, %dot_general3A_10 {dimension_numbers = #tpu.dot_dimension_numbers<[1], [1], [0], [0], [0, 0, 1, 0], [], []>, transpose_lhs_hint = false} : vector<64x48xf32>, vector<512x48xf32>, vector<64x512xf32> -> vector<64x512xf32>
    %add3A = arith.addf %dot_general3A_6, %dot_general3A_11 : vector<64x512xf32>
    %max3A = arith.constant 0.000000e+00 : f32
    %max3A_12 = vector.broadcast %max3A : f32 to vector<64x512xf32>
    %max3A_13 = arith.maximumf %add3A, %max3A_12 : vector<64x512xf32>
    %reduce_sum3A = arith.constant dense<0.000000e+00> : vector<512xf32>
    %reduce_sum3A_14 = vector.multi_reduction <add>, %max3A_13, %reduce_sum3A [0] : vector<64x512xf32> to vector<512xf32>
    %broadcast_in_dim3A = vector.shape_cast %reduce_sum3A_14 : vector<512xf32> to vector<1x512xf32>
    %add3A_15 = arith.constant 9.99999993E-9 : f32
    %add3A_16 = vector.broadcast %add3A_15 : f32 to vector<1x512xf32>
    %add3A_17 = arith.addf %broadcast_in_dim3A, %add3A_16 : vector<1x512xf32>
    %div3A = vector.broadcast %add3A_17 : vector<1x512xf32> to vector<64x512xf32>
    %div3A_18 = arith.divf %max3A_13, %div3A : vector<64x512xf32>
    %swap3A = arith.constant 0 : index
    %swap3A_19 = arith.constant 0 : index
    %swap3A_20 = vector.load %arg5[%swap3A, %swap3A_19] : memref<64x512xf32, #tpu.memory_space<vmem>>, vector<64x512xf32>
    tpu.vector_store %arg5[%swap3A, %swap3A_19], %div3A_18 {strides = array<i32>} : memref<64x512xf32, #tpu.memory_space<vmem>>, vector<64x512xf32>,
    return
  }
  func.func @transform_0(%arg0: i32) -> (i32, i32) {
    %c0_i32 = arith.constant 0 : i32
    %c0_i32_0 = arith.constant 0 : i32
    return %arg0, %c0_i32 : i32, i32
  }
  func.func @transform_2(%arg0: i32) -> (i32, i32) {
    %c0_i32 = arith.constant 0 : i32
    %c0_i32_0 = arith.constant 0 : i32
    %c0_i32_1 = arith.constant 0 : i32
    return %c0_i32, %c0_i32_0 : i32, i32
  }
  func.func @transform_3(%arg0: i32) -> (i32, i32) {
    %c0_i32 = arith.constant 0 : i32
    %c0_i32_0 = arith.constant 0 : i32
    %c0_i32_1 = arith.constant 0 : i32
    return %c0_i32, %c0_i32_0 : i32, i32
  }
  func.func @transform_4(%arg0: i32) -> (i32, i32) {
    %c0_i32 = arith.constant 0 : i32
    %c0_i32_0 = arith.constant 0 : i32
    return %c0_i32, %arg0 : i32, i32
  }
}

</mosaic_0001>

<sc_bundles>
// kernel: kernel.6.cloned.1.call-start
scs
__scs_entry_jumppad:
0x0: {  	(pc) =	sbr.rel $0x88, $3  }
0x1: {  	(tag) =	ssettag $0x0;
	lr =	simm.s32 $0x1  }
0x2: {  	[smem:$0x3F9E] =	sst lr;
	_ =	strace $0xD0000000  }
0x3: {  	_ = 	snop  }
0x4: {  	_ = 	snop  }
0x5: {  	_ = 	snop  }
0x6: {  	_ = 	snop  }
0x7: {  	_ = 	snop  }
__scs_overlays_trampoline_lowered:
0x8: {  	[smem:$0x3FAD] =	sst s0  }
0x9: {  	[smem:$0x3FAE] =	sst s1  }
0xa: {  	[smem:$0x3FAF] =	sst s2  }
0xb: {  	[smem:$0x3FB0] =	sst s3  }
0xc: {  	[smem:$0x3FB1] =	sst s4  }
0xd: {  	[smem:$0x3FB2] =	sst s5  }
0xe: {  	[smem:$0x3FB3] =	sst s6  }
0xf: {  	[smem:$0x3FB4] =	sst s7  }
0x10: {  	[smem:$0x3FB5] =	sst s8  }
0x11: {  	[smem:$0x3FB6] =	sst s9;
	s0 =	simm.s32 @!p0 $0x0  }
0x12: {  	s1 =	sld [smem:$0x3F9C];
	s0 =	simm.s32 @p0 $0x1  }
0x13: {  	[smem:$0x3FB7] =	sst s0;
	s0 =	simm.s32 @!p1 $0x0  }
0x14: {  	s2 =	sld [smem:$0x3F9B];
	s0 =	simm.s32 @p1 $0x1  }
0x15: {  	[smem:$0x3FB8] =	sst s0;
	s0 =	simm.s32 @!p2 $0x0  }
0x16: {  	s3 =	sld [smem:$0x3FDB];
	s0 =	simm.s32 @p2 $0x1  }
0x17: {  	s4 =	simm.s32 $0x1BF5;
	[smem:$0x3FBA] =	sst s0  }
0x18: {  	s0 =	sld [smem:$0x3F9D];
	_ =	swait.ge [sflag:s4], $0x0  }
0x19: {  	s7 =	sld [smem:$0x3F9E]  }
0x1a: {  	s8 =	sadd.s32 $0xFFFFE003, lr  }
0x1b: {  	s9 =	sadd.s32 $0xFFFFFEF7, lr;
	s5 =	simm.s32 $0xFFFFFFFF;
	p2 =	slt.u32 s8, $0xFFFFF086  }
0x1c: {  	p1 =	slt.u32 s9, $0xF7A;
	s5 =	simm.s32 @!p2 $0x0  }
0x1d: {  	s5 =	simm.s32 @p1 $0x1;
	p0 =	seq.s32 s7, s2  }
0x1e: {  	s7 =	smul.u32 @!p0 $0xF7A, s2;
	p2 =	seq.s32 @!p0 s5, $0x0  }
0x1f: {  	s9 =	smul.u32 $0xF7A, s1;
	s8 =	simm.s32 @!p0 $0x1BF5;
	p2 =	por !p2, p0  }
0x20: {  	[sflag:s8] =	ssyncset.s32 @!p0 $0xFFFFF086;
	s6 =	sadd.s32 @!p0 s3, s7;
	s7 =	simm.s32 @!p0 $0x108  }
0x21: {  	s3 =	sadd.s32 s3, s9;
	s6 =	sadd.s32 @!p0 $0x88, s6;
	s7 =	simm.s32 @p2 $0x1082  }
0x22: {  	[simem:s7], [sflag:s8] =	dma.local @!p0 [hbm:s6], $0xF7A  }
0x23: {  	s9 =	sor.u32 $0xD0000000, s2;
	s6 =	simm.s32 $0x108;
	_ =	swait.ge @!p0 [sflag:s8], $0x0  }
0x24: {  	s3 =	sadd.s32 $0x88, s3;
	s6 =	simm.s32 @!p1 $0x1082;
	[sflag:s4] =	ssyncset.s32 $0xFFFFF086  }
0x25: {  	[simem:s6], [sflag:s4] =	dma.local [hbm:s3], $0xF7A  }
0x26: {  	[smem:$0x3F9E] =	sst s1;
	(tag) =	ssettag s2;
	_ =	strace s9  }
0x27: {  	s1 =	sld [smem:$0x3FAE]  }
0x28: {  	s2 =	sld [smem:$0x3FAF]  }
0x29: {  	s4 =	sld [smem:$0x3FB1]  }
0x2a: {  	p0 =	seq.s32 s5, $0x0;
	s5 =	sld [smem:$0x3FB2]  }
0x2b: {  	s6 =	sld [smem:$0x3FB3]  }
0x2c: {  	s7 =	sld [smem:$0x3FB4]  }
0x2d: {  	s3 =	simm.s32 $0x108;
	s8 =	sld [smem:$0x3FB5]  }
0x2e: {  	s3 =	simm.s32 @!p0 $0x1082;
	s9 =	sld [smem:$0x3FB6]  }
0x2f: {  	lr =	sadd.s32 s0, s3;
	s0 =	sld [smem:$0x3FAD]  }
0x30: {  	s3 =	sld [smem:$0x3FB0]  }
0x31: {  	[smem:$0x3FB9] =	sst s10  }
0x32: {  	s10 =	sld [smem:$0x3FB7];
	_ =	sdelay $0x3  }
0x33: {  	p0 =	seq.s32 s10, $0x1;
	s10 =	sld [smem:$0x3FB9];
	_ =	sdelay $0x3  }
0x34: {  	[smem:$0x3FB9] =	sst s10  }
0x35: {  	s10 =	sld [smem:$0x3FB8];
	_ =	sdelay $0x3  }
0x36: {  	p1 =	seq.s32 s10, $0x1;
	s10 =	sld [smem:$0x3FB9];
	_ =	sdelay $0x3  }
0x37: {  	[smem:$0x3FB9] =	sst s10  }
0x38: {  	s10 =	sld [smem:$0x3FBA]  }
0x39: {  	_ = 	snop;
	(pc) =	sbr.ind lr, $3  }
0x3a: {  	_ = 	snop  }
0x3b: {  	_ = 	snop  }
0x3c: {  	p2 =	seq.s32 s10, $0x1;
	s10 =	sld [smem:$0x3FB9]  }
0x3d: {  	_ =	shalt  }
0x3e: {  	_ =	shalt  }
0x3f: {  	_ =	shalt  }
0x40: {  	_ =	shalt  }
0x41: {  	_ =	shalt  }
0x42: {  	_ =	shalt  }
0x43: {  	_ =	shalt  }
0x44: {  	_ =	shalt  }
0x45: {  	_ =	shalt  }
0x46: {  	_ =	shalt  }
0x47: {  	_ =	shalt  }
0x48: {  	_ =	shalt  }
0x49: {  	_ =	shalt  }
0x4a: {  	_ =	shalt  }
0x4b: {  	_ =	shalt  }
0x4c: {  	_ =	shalt  }
0x4d: {  	_ =	shalt  }
0x4e: {  	_ =	shalt  }
0x4f: {  	_ =	shalt  }
0x50: {  	_ =	shalt  }
0x51: {  	_ =	shalt  }
0x52: {  	_ =	shalt  }
0x53: {  	_ =	shalt  }
0x54: {  	_ =	shalt  }
0x55: {  	_ =	shalt  }
0x56: {  	_ =	shalt  }
0x57: {  	_ =	shalt  }
0x58: {  	_ =	shalt  }
0x59: {  	_ =	shalt  }
0x5a: {  	_ =	shalt  }
0x5b: {  	_ =	shalt  }
0x5c: {  	_ =	shalt  }
0x5d: {  	_ =	shalt  }
0x5e: {  	_ =	shalt  }
0x5f: {  	_ =	shalt  }
0x60: {  	_ =	shalt  }
0x61: {  	_ =	shalt  }
0x62: {  	_ =	shalt  }
0x63: {  	_ =	shalt  }
0x64: {  	_ =	shalt  }
0x65: {  	_ =	shalt  }
0x66: {  	_ =	shalt  }
0x67: {  	_ =	shalt  }
0x68: {  	_ =	shalt  }
0x69: {  	_ =	shalt  }
0x6a: {  	_ =	shalt  }
0x6b: {  	_ =	shalt  }
0x6c: {  	_ =	shalt  }
0x6d: {  	_ =	shalt  }
0x6e: {  	_ =	shalt  }
0x6f: {  	_ =	shalt  }
0x70: {  	_ =	shalt  }
0x71: {  	_ =	shalt  }
0x72: {  	_ =	shalt  }
0x73: {  	_ =	shalt  }
0x74: {  	_ =	shalt  }
0x75: {  	_ =	shalt  }
0x76: {  	_ =	shalt  }
0x77: {  	_ =	shalt  }
0x78: {  	_ =	shalt  }
0x79: {  	_ =	shalt  }
0x7a: {  	_ =	shalt  }
0x7b: {  	_ =	shalt  }
0x7c: {  	_ =	shalt  }
0x7d: {  	_ =	shalt  }
0x7e: {  	_ =	shalt  }
0x7f: {  	_ =	shalt  }
0x80: {  	_ =	shalt  }
0x81: {  	_ =	shalt  }
0x82: {  	_ =	shalt  }
0x83: {  	_ =	shalt  }
0x84: {  	_ =	shalt  }
0x85: {  	_ =	shalt  }
0x86: {  	_ =	shalt  }
0x87: {  	_ =	shalt  }
.Lfunc_end0:
.L_simem_size_0:
called_computation_lowered:
.L_overlay_start_0:
0x88: {  	s2 =	sld [smem:$0x3FD9]  }
0x89: {  	s3 =	sld [smem:$0x3FFE];
	_ =	sdelay $0x1  }
0x8a: {  	s1 =	srdreg.scid  }
0x8b: {  	s0 =	sand.u32 $0x1, s1  }
0x8c: {  	s14 =	sshll.u32 s0, $0xA;
	s2 =	sadd.s32 s3, s2  }
0x8d: {  	s2 =	sadd.s32 s2, s14  }
0x8e: {  	[smem:$0x3FC5] =	sst s2  }
0x8f: {  	_ = 	snop  }
0x90: {  	s2 =	sld [smem:$0x3FD0];
	_ =	sdelay $0x2  }
0x91: {  	s15 =	simm.s32 $0xA;
	s4 =	simm.s32 $0x10  }
0x92: {  	[smem:s4], [sflag:s15] =	dma.local [hbm:s2], $0x1  }
0x93: {  	_ =	swait.eq [sflag:s15], $0x1  }
0x94: {  	[sflag:s15] =	ssyncset.done $0x0  }
0x95: {  	[sflag:s15] =	ssyncadd.s32 $0xFFFFFFFF  }
0x96: {  	s16 =	sld [smem:$0x10];
	(tm) =	ssettm $0x1  }
0x97: {  	s17 =	sld [smem:$0x3FFB];
	_ =	sdelay $0x3  }
0x98: {  	_ =	strace s17  }
0x99: {  	s3 =	sld [smem:$0x3FFC];
	_ =	sdelay $0x3  }
0x9a: {  	_ =	strace s3  }
0x9b: {  	s3 =	sld [smem:$0x3FFD];
	_ =	sdelay $0x3  }
0x9c: {  	_ =	strace s3  }
0x9d: {  	_ =	strace $0x8FFFFFFF  }
0x9e: {  	s18 =	sld [smem:$0x3FDB];
	_ =	sdelay $0x1  }
0x9f: {  	s19 =	simm.s32 $_scs_section_size  }
0xa0: {  	s5 =	simm.s32 $_size__tile_overlayer_lowered;
	s6 =	simm.s32 $_tile_overlayer_lowered  }
0xa1: {  	s22 =	simm.s32 $0x1BFF;
	s21 =	sshll.u32 s6, $0x1;
	s3 =	sadd.s32 s19, s18  }
0xa2: {  	s7 =	simm.s32 $0x0;
	s20 =	sshll.u32 s5, $0x1;
	s5 =	sadd.s32 s21, s3  }
0xa3: {  	[timem:s7], [sflag:s22] =	dma.local [hbm:s5], s20  }
0xa4: {  	_ =	swait.ge [sflag:s22], s20  }
0xa5: {  	s4 =	ssub.s32 $0x0, s20;
	[sflag:s22] =	ssyncset.done $0x0  }
0xa6: {  	[sflag:s22] =	ssyncadd.s32 s4;
	_ =	sdelay $0x1  }
0xa7: {  	s23 =	simm.s32 $0x1B8B  }
0xa8: {  	_ =	swait.ge [sflag:s23], $0x1  }
0xa9: {  	[sflag:s23] =	ssyncset.done $0x0  }
0xaa: {  	s25 =	simm.s32 $0x1B8E;
	s24 =	sld [smem:$0x3FFE];
	[sflag:s23] =	ssyncadd.s32 $0xFFFFFFFF  }
0xab: {  	s26 =	simm.s32 $execute0_lowered;
	[smem:$0x3FD2] =	sst s25  }
0xac: {  	s5 =	sshll.u32 s26, $0x1;
	_ =	strace $0x80000046;
	[dreg:$0x1] =	wrdreg $0xFFFFFFFF  }
0xad: {  	s28 =	simm.s32 $_size_execute0_lowered;
	s3 =	sadd.s32 s3, s5;
	[dreg:$0x0] =	wrdreg $0x0  }
0xae: {  	s5 =	sshll.u32 s28, $0x1;
	[dreg:$0x2] =	wrdreg s3  }
0xaf: {  	[dreg:$0x3] =	wrdreg s5  }
0xb0: {  	[dreg:$0x4] =	wrdreg $0xC0  }
0xb1: {  	_ =	task [dreg:s7], $0x5FFFF  }
0xb2: {  	[dreg:$0x1] =	wrdreg $0xFFFFFFFF  }
0xb3: {  	[dreg:$0x0] =	wrdreg $0x60  }
0xb4: {  	[dreg:$0x2] =	wrdreg s24  }
0xb5: {  	[dreg:$0x3] =	wrdreg s16  }
0xb6: {  	[dreg:$0x4] =	wrdreg $0x9  }
0xb7: {  	_ =	task.clear_ibuf [dreg:s7], $0x5FFFF;
	_ =	strace $0x90000046  }
0xb8: {  	s29 =	simm.s32 $0x9;
	_ =	strace $0x80000048  }
0xb9: {  	_ =	swait.ge [sflag:s29], $0x1  }
0xba: {  	[sflag:s29] =	ssyncadd.s32 $0xFFFFFFFF  }
0xbb: {  	_ =	strace $0x90000048  }
0xbc: {  	_ =	sfence  }
0xbd: {  	s30 =	sld [smem:$0x0];
	_ =	sdelay $0x2  }
0xbe: {  	s31 =	sshll.u32 s1, $0xD;
	s1 =	sshrl.u32 s1, $0x2  }
0xbf: {  	s3 =	sand.u32 $0x4000, s31;
	s1 =	sadd.s32 s1, s30  }
0xc0: {  	s0 =	sor.u32 s3, s0;
	s1 =	sshll.u32 s1, $0x11  }
0xc1: {  	s0 =	sor.u32 s1, s0  }
0xc2: {  	s0 =	sadd.s32 $0x8F2B, s0  }
0xc3: {  	[sflag:s0] =	ssyncadd.remote.s32 $0x1  }
0xc4: {  	_ =	sfence.sel $0xFFFF  }
0xc5: {  	[dreg:$0x0] =	wrdreg $0xFFFFFFFF;
	(pc) =	sbr.abs _section_cstart, $3  }
0xc6: {  	[dreg:$0x1] =	wrdreg $0xFFFFFFFF  }
0xc7: {  	_ =	task.clear_ibuf [dreg:s7], $0x2FFFF;
	_ =	strace $0x9FFFFFFF  }
0xc8: {  	(tm) =	ssettm $0x7FFFFFFF  }
0xc9: {  	_ =	shalt  }
tec
execute0_lowered:
.L_overlay_start_1:
0x0: {  	(tag) =	ssettag $0x1  }
0x1: {  	s0 =	rddreg [dreg:$0x0]  }
0x2: {  	s3 =	simm.s32 $0x0;
	s1 =	srdreg.scid;
	s2 =	stileid.u32  }
0x3: {  	s11 =	simm.s32 $0x3;
	s12 =	simm.s32 $0x8100;
	s13 =	simm.s32 $0x8280  }
0x4: {  	s14 =	simm.s32 $0x18400;
	s15 =	simm.s32 $0x18500;
	s16 =	simm.s32 $0x1  }
0x5: {  	s17 =	simm.s32 $0x2;
	s18 =	simm.s32 $0x10400;
	s19 =	simm.s32 $0x0  }
0x6: {  	[smem:$0x7FF] =	sst s3;
	s1 =	sand.u32 $0x1, s1;
	s2 =	sshll.u32 s2, $0x9  }
0x7: {  	s4 =	sadd.s32 $0xC5800, s0;
	_ =	strace $0x80000047;
	s5 =	sshll.u32 s1, $0x8  }
.Ltmp0:
0x8: {  	s1 =	ssub.s32 $0x2, s1;
	s2 =	sor.u32 s5, s2;
	(pc) =	sbr.rel .LBB2_1-.Ltmp0, $4  }
0x9: {  	s6 =	sshrl.u32 s1, $0x1;
	s5 =	sshll.u32 s2, $0x4;
	s2 =	sshrl.u32 s2, $0x3  }
0xa: {  	s1 =	ssub.s32 s1, s6;
	s9 =	sadd.s32 s5, s0;
	s0 =	sadd.s32 s2, s0  }
0xb: {  	s10 =	smax.u32 s1, $0x1;
	s5 =	sadd.s32 $0xC4C00, s0;
	s6 =	sadd.s32 $0xC5200, s0  }
0xc: {  	v0 =	vimm.f32 $1.000000000e+00;
	v1 =	vimm.f32 $0.0e+00;
	v2 =	vimm.s32 $0x0;
	s7 =	sadd.s32 $0x1600, s0;
	s8 =	sadd.s32 $0x1A00, s0;
	s9 =	sadd.s32 $0x1E00, s9  }
.LBB2_40:
0xd: {  	s0 =	sshll.u32 s23, $0x7  }
0xe: {  	s0 =	sadd.s32 s22, s0  }
0xf: {  	p0 =	sne.s32 s0, s21  }
0x10: {  	s0 =	sshll.u32 @!p0 s1, $0x9  }
0x11: {  	s0 =	sshra.s32 @!p0 s0, $0x2  }
0x12: {  	[tilespmem:s0+$0x10400] =	vst @!p0 v5  }
0x13: {  	[tilespmem:s0+$0x10430] =	vst @!p0 v8  }
0x14: {  	[tilespmem:s0+$0x10410] =	vst @!p0 v6  }
0x15: {  	[tilespmem:s0+$0x10440] =	vst @!p0 v7  }
0x16: {  	s19 =	sadd.s32 $0x1, s19;
	[tilespmem:s0+$0x10420] =	vst @!p0 v3  }
0x17: {  	[tilespmem:s0+$0x10450] =	vst @!p0 v4;
	p0 =	sne.s32 s19, s10  }
.Ltmp1:
0x18: {  	_ = 	snop;
	(pc) =	sbr.rel @!p0 .LBB2_41-.Ltmp1, $4  }
0x19: {  	[hbm4b:s9+s3] =	stream.linear.scatter [tilespmem:s18], [sflag:$0x3], $0x8000, $0x38;
	[tilespmem:$0x18600] =	vst v63  }
0x1a: {  	_ =	swait.ge [sflag:s11], $0x8000  }
0x1b: {  	[sflag:s11] =	ssyncset.done $0x0  }
0x1c: {  	[sflag:s11] =	ssyncadd.s32 $0xFFFF8000  }
.LBB2_1:
0x1d: {  	s0 =	rddreg [dreg:$0x1]  }
0x1e: {  	[tilespmem:s3], [sflag:$0x3] =	stream.linear.gather [hbm4b:s0+s3], $0x8100, $0x38;
	[tilespmem:$0x18600] =	vst v63  }
0x1f: {  	_ =	swait.ge [sflag:s11], $0x8100  }
0x20: {  	[sflag:s11] =	ssyncset.done $0x0  }
0x21: {  	[sflag:s11] =	ssyncadd.s32 $0xFFFF7F00  }
0x22: {  	[tilespmem:s12], [sflag:$0x3] =	stream.linear.gather [hbm4b:s5+s3], $0x110, $0x38;
	[tilespmem:$0x18600] =	vst v63  }
0x23: {  	_ =	swait.ge [sflag:s11], $0x110  }
0x24: {  	[sflag:s11] =	ssyncset.done $0x0  }
0x25: {  	[sflag:s11] =	ssyncadd.s32 $0xFFFFFEF0  }
0x26: {  	[tilespmem:s13], [sflag:$0x3] =	stream.linear.gather [hbm4b:s6+s3], $0x110, $0x38;
	[tilespmem:$0x18600] =	vst v63  }
0x27: {  	_ =	swait.ge [sflag:s11], $0x110  }
0x28: {  	[sflag:s11] =	ssyncset.done $0x0  }
0x29: {  	[sflag:s11] =	ssyncadd.s32 $0xFFFFFEF0  }
0x2a: {  	v3 =	vld [tilespmem:$0x8100];
	_ =	sdelay $0x4  }
0x2b: {  	v4 =	vld [tilespmem:$0x8280];
	vm0 =	vgt.s32 v3, $0x0  }
0x2c: {  	v3 =	vnsel vm0, $0x0, v3  }
0x2d: {  	v3 =	vmin.u32 v3, $0x7FFF;
	_ =	sdelay $0x2  }
0x2e: {  	v4 =	vadd.s32 $0xFFFFFFFF, v4  }
0x2f: {  	v5 =	vld [tilespmem:$0x8110];
	vm9 =	vgt.s32 v4, $0x0  }
0x30: {  	v4 =	vnsel vm9, $0x0, v4;
	v3 =	vld.idx.msk [tilespmem:v3+s3+$0x0], $0xffff  }
0x31: {  	v4 =	vmin.u32 v4, $0x7FFF;
	_ =	sdelay $0x3  }
0x32: {  	vm10 =	vgt.s32 v5, $0x0;
	[tilespmem:$0x18400] =	vst v3;
	v3 =	vld [tilespmem:$0x8290]  }
0x33: {  	v5 =	vnsel vm10, $0x0, v5;
	v4 =	vld.idx.msk [tilespmem:v4+s3+$0x0], $0xffff  }
0x34: {  	v5 =	vmin.u32 v5, $0x7FFF;
	_ =	sdelay $0x2  }
0x35: {  	v3 =	vadd.s32 $0xFFFFFFFF, v3  }
0x36: {  	[tilespmem:$0x18500] =	vst v4;
	vm11 =	vgt.s32 v3, $0x0  }
0x37: {  	v3 =	vnsel vm11, $0x0, v3;
	v4 =	vld.idx.msk [tilespmem:v5+s3+$0x0], $0xffff  }
0x38: {  	v22 =	vld [tilespmem:$0x8120];
	v3 =	vmin.u32 v3, $0x7FFF;
	_ =	sdelay $0x3  }
0x39: {  	v23 =	vld [tilespmem:$0x82A0];
	[tilespmem:$0x18410] =	vst v4  }
0x3a: {  	vm12 =	vgt.s32 v22, $0x0;
	v3 =	vld.idx.msk [tilespmem:v3+s3+$0x0], $0xffff  }
0x3b: {  	v5 =	vnsel vm12, $0x0, v22  }
0x3c: {  	v5 =	vmin.u32 v5, $0x7FFF;
	_ =	sdelay $0x2  }
0x3d: {  	[tilespmem:$0x18510] =	vst v3;
	v3 =	vadd.s32 $0xFFFFFFFF, v23  }
0x3e: {  	v25 =	vld [tilespmem:$0x8130];
	vm13 =	vgt.s32 v3, $0x0  }
0x3f: {  	v24 =	vld.idx.msk [tilespmem:v5+s3+$0x0], $0xffff;
	v3 =	vnsel vm13, $0x0, v3  }
0x40: {  	v3 =	vmin.u32 v3, $0x7FFF;
	_ =	sdelay $0x3  }
0x41: {  	v26 =	vld [tilespmem:$0x82B0];
	vm14 =	vgt.s32 v25, $0x0;
	[tilespmem:$0x18420] =	vst v24  }
0x42: {  	v5 =	vnsel vm14, $0x0, v25;
	v3 =	vld.idx.msk [tilespmem:v3+s3+$0x0], $0xffff  }
0x43: {  	v5 =	vmin.u32 v5, $0x7FFF;
	_ =	sdelay $0x2  }
0x44: {  	v4 =	vadd.s32 $0xFFFFFFFF, v26  }
0x45: {  	vm15 =	vgt.s32 v4, $0x0;
	[tilespmem:$0x18520] =	vst v3  }
0x46: {  	v3 =	vnsel vm15, $0x0, v4;
	v27 =	vld.idx.msk [tilespmem:v5+s3+$0x0], $0xffff  }
0x47: {  	v28 =	vld [tilespmem:$0x8140];
	v3 =	vmin.u32 v3, $0x7FFF;
	_ =	sdelay $0x3  }
0x48: {  	v29 =	vld [tilespmem:$0x82C0];
	[tilespmem:$0x18430] =	vst v27  }
0x49: {  	vm4 =	vgt.s32 v28, $0x0;
	v3 =	vld.idx.msk [tilespmem:v3+s3+$0x0], $0xffff  }
0x4a: {  	v5 =	vnsel vm4, $0x0, v28  }
0x4b: {  	v5 =	vmin.u32 v5, $0x7FFF;
	_ =	sdelay $0x2  }
0x4c: {  	[tilespmem:$0x18530] =	vst v3;
	v3 =	vadd.s32 $0xFFFFFFFF, v29  }
0x4d: {  	v31 =	vld [tilespmem:$0x8150];
	vm5 =	vgt.s32 v3, $0x0  }
0x4e: {  	v30 =	vld.idx.msk [tilespmem:v5+s3+$0x0], $0xffff;
	v3 =	vnsel vm5, $0x0, v3  }
0x4f: {  	v3 =	vmin.u32 v3, $0x7FFF;
	_ =	sdelay $0x3  }
0x50: {  	v32 =	vld [tilespmem:$0x82D0];
	vm6 =	vgt.s32 v31, $0x0;
	[tilespmem:$0x18440] =	vst v30  }
0x51: {  	v5 =	vnsel vm6, $0x0, v31;
	v3 =	vld.idx.msk [tilespmem:v3+s3+$0x0], $0xffff  }
0x52: {  	v5 =	vmin.u32 v5, $0x7FFF;
	_ =	sdelay $0x2  }
0x53: {  	v4 =	vadd.s32 $0xFFFFFFFF, v32  }
0x54: {  	vm7 =	vgt.s32 v4, $0x0;
	[tilespmem:$0x18540] =	vst v3  }
0x55: {  	v3 =	vnsel vm7, $0x0, v4;
	v33 =	vld.idx.msk [tilespmem:v5+s3+$0x0], $0xffff  }
0x56: {  	v34 =	vld [tilespmem:$0x8160];
	v3 =	vmin.u32 v3, $0x7FFF;
	_ =	sdelay $0x3  }
0x57: {  	v35 =	vld [tilespmem:$0x82E0];
	[tilespmem:$0x18450] =	vst v33  }
0x58: {  	vm8 =	vgt.s32 v34, $0x0;
	v3 =	vld.idx.msk [tilespmem:v3+s3+$0x0], $0xffff  }
0x59: {  	v5 =	vnsel vm8, $0x0, v34  }
0x5a: {  	v5 =	vmin.u32 v5, $0x7FFF;
	_ =	sdelay $0x2  }
0x5b: {  	[tilespmem:$0x18550] =	vst v3;
	v3 =	vadd.s32 $0xFFFFFFFF, v35  }
0x5c: {  	v37 =	vld [tilespmem:$0x8170];
	vm9 =	vgt.s32 v3, $0x0  }
0x5d: {  	v36 =	vld.idx.msk [tilespmem:v5+s3+$0x0], $0xffff;
	v3 =	vnsel vm9, $0x0, v3  }
0x5e: {  	v3 =	vmin.u32 v3, $0x7FFF;
	_ =	sdelay $0x3  }
0x5f: {  	v38 =	vld [tilespmem:$0x82F0];
	vm10 =	vgt.s32 v37, $0x0;
	[tilespmem:$0x18460] =	vst v36  }
0x60: {  	v5 =	vnsel vm10, $0x0, v37;
	v3 =	vld.idx.msk [tilespmem:v3+s3+$0x0], $0xffff  }
0x61: {  	v5 =	vmin.u32 v5, $0x7FFF;
	_ =	sdelay $0x2  }
0x62: {  	v4 =	vadd.s32 $0xFFFFFFFF, v38  }
0x63: {  	vm11 =	vgt.s32 v4, $0x0;
	[tilespmem:$0x18560] =	vst v3  }
0x64: {  	v3 =	vnsel vm11, $0x0, v4;
	v39 =	vld.idx.msk [tilespmem:v5+s3+$0x0], $0xffff  }
0x65: {  	v40 =	vld [tilespmem:$0x8180];
	v3 =	vmin.u32 v3, $0x7FFF;
	_ =	sdelay $0x3  }
0x66: {  	v41 =	vld [tilespmem:$0x8300];
	[tilespmem:$0x18470] =	vst v39  }
0x67: {  	vm12 =	vgt.s32 v40, $0x0;
	v3 =	vld.idx.msk [tilespmem:v3+s3+$0x0], $0xffff  }
0x68: {  	v5 =	vnsel vm12, $0x0, v40  }
0x69: {  	v5 =	vmin.u32 v5, $0x7FFF;
	_ =	sdelay $0x2  }
0x6a: {  	[tilespmem:$0x18570] =	vst v3;
	v3 =	vadd.s32 $0xFFFFFFFF, v41  }
0x6b: {  	v43 =	vld [tilespmem:$0x8190];
	vm13 =	vgt.s32 v3, $0x0  }
0x6c: {  	v42 =	vld.idx.msk [tilespmem:v5+s3+$0x0], $0xffff;
	v3 =	vnsel vm13, $0x0, v3  }
0x6d: {  	v3 =	vmin.u32 v3, $0x7FFF;
	_ =	sdelay $0x3  }
0x6e: {  	v44 =	vld [tilespmem:$0x8310];
	vm14 =	vgt.s32 v43, $0x0;
	[tilespmem:$0x18480] =	vst v42  }
0x6f: {  	v5 =	vnsel vm14, $0x0, v43;
	v3 =	vld.idx.msk [tilespmem:v3+s3+$0x0], $0xffff  }
0x70: {  	v5 =	vmin.u32 v5, $0x7FFF;
	_ =	sdelay $0x2  }
0x71: {  	v4 =	vadd.s32 $0xFFFFFFFF, v44  }
0x72: {  	vm15 =	vgt.s32 v4, $0x0;
	[tilespmem:$0x18580] =	vst v3  }
0x73: {  	v3 =	vnsel vm15, $0x0, v4;
	v45 =	vld.idx.msk [tilespmem:v5+s3+$0x0], $0xffff  }
0x74: {  	v46 =	vld [tilespmem:$0x81A0];
	v3 =	vmin.u32 v3, $0x7FFF;
	_ =	sdelay $0x3  }
0x75: {  	v47 =	vld [tilespmem:$0x8320];
	[tilespmem:$0x18490] =	vst v45  }
0x76: {  	vm4 =	vgt.s32 v46, $0x0;
	v3 =	vld.idx.msk [tilespmem:v3+s3+$0x0], $0xffff  }
0x77: {  	v5 =	vnsel vm4, $0x0, v46  }
0x78: {  	v5 =	vmin.u32 v5, $0x7FFF;
	_ =	sdelay $0x2  }
0x79: {  	[tilespmem:$0x18590] =	vst v3;
	v3 =	vadd.s32 $0xFFFFFFFF, v47  }
0x7a: {  	v49 =	vld [tilespmem:$0x81B0];
	vm5 =	vgt.s32 v3, $0x0  }
0x7b: {  	v48 =	vld.idx.msk [tilespmem:v5+s3+$0x0], $0xffff;
	v3 =	vnsel vm5, $0x0, v3  }
0x7c: {  	v3 =	vmin.u32 v3, $0x7FFF;
	_ =	sdelay $0x3  }
0x7d: {  	v50 =	vld [tilespmem:$0x8330];
	vm6 =	vgt.s32 v49, $0x0;
	[tilespmem:$0x184A0] =	vst v48  }
0x7e: {  	v5 =	vnsel vm6, $0x0, v49;
	v3 =	vld.idx.msk [tilespmem:v3+s3+$0x0], $0xffff  }
0x7f: {  	v5 =	vmin.u32 v5, $0x7FFF;
	_ =	sdelay $0x2  }
0x80: {  	v4 =	vadd.s32 $0xFFFFFFFF, v50  }
0x81: {  	vm7 =	vgt.s32 v4, $0x0;
	[tilespmem:$0x185A0] =	vst v3  }
0x82: {  	v3 =	vnsel vm7, $0x0, v4;
	v51 =	vld.idx.msk [tilespmem:v5+s3+$0x0], $0xffff  }
0x83: {  	v52 =	vld [tilespmem:$0x81C0];
	v3 =	vmin.u32 v3, $0x7FFF;
	_ =	sdelay $0x3  }
0x84: {  	v53 =	vld [tilespmem:$0x8340];
	[tilespmem:$0x184B0] =	vst v51  }
0x85: {  	vm8 =	vgt.s32 v52, $0x0;
	v3 =	vld.idx.msk [tilespmem:v3+s3+$0x0], $0xffff  }
0x86: {  	v5 =	vnsel vm8, $0x0, v52  }
0x87: {  	v5 =	vmin.u32 v5, $0x7FFF;
	_ =	sdelay $0x2  }
0x88: {  	[tilespmem:$0x185B0] =	vst v3;
	v3 =	vadd.s32 $0xFFFFFFFF, v53  }
0x89: {  	v55 =	vld [tilespmem:$0x81D0];
	vm9 =	vgt.s32 v3, $0x0  }
0x8a: {  	v54 =	vld.idx.msk [tilespmem:v5+s3+$0x0], $0xffff;
	v3 =	vnsel vm9, $0x0, v3  }
0x8b: {  	v3 =	vmin.u32 v3, $0x7FFF;
	_ =	sdelay $0x3  }
0x8c: {  	v56 =	vld [tilespmem:$0x8350];
	vm10 =	vgt.s32 v55, $0x0;
	[tilespmem:$0x184C0] =	vst v54  }
0x8d: {  	v5 =	vnsel vm10, $0x0, v55;
	v3 =	vld.idx.msk [tilespmem:v3+s3+$0x0], $0xffff  }
0x8e: {  	v5 =	vmin.u32 v5, $0x7FFF;
	_ =	sdelay $0x2  }
0x8f: {  	v4 =	vadd.s32 $0xFFFFFFFF, v56  }
0x90: {  	vm11 =	vgt.s32 v4, $0x0;
	[tilespmem:$0x185C0] =	vst v3  }
0x91: {  	v3 =	vnsel vm11, $0x0, v4;
	v57 =	vld.idx.msk [tilespmem:v5+s3+$0x0], $0xffff  }
0x92: {  	v58 =	vld [tilespmem:$0x81E0];
	v3 =	vmin.u32 v3, $0x7FFF;
	_ =	sdelay $0x3  }
0x93: {  	v59 =	vld [tilespmem:$0x8360];
	[tilespmem:$0x184D0] =	vst v57  }
0x94: {  	vm12 =	vgt.s32 v58, $0x0;
	v3 =	vld.idx.msk [tilespmem:v3+s3+$0x0], $0xffff  }
0x95: {  	v5 =	vnsel vm12, $0x0, v58  }
0x96: {  	v5 =	vmin.u32 v5, $0x7FFF;
	_ =	sdelay $0x2  }
0x97: {  	[tilespmem:$0x185D0] =	vst v3;
	v3 =	vadd.s32 $0xFFFFFFFF, v59  }
0x98: {  	v61 =	vld [tilespmem:$0x81F0];
	vm13 =	vgt.s32 v3, $0x0  }
0x99: {  	v60 =	vld.idx.msk [tilespmem:v5+s3+$0x0], $0xffff;
	v3 =	vnsel vm13, $0x0, v3  }
0x9a: {  	v3 =	vmin.u32 v3, $0x7FFF;
	_ =	sdelay $0x3  }
0x9b: {  	v62 =	vld [tilespmem:$0x8370];
	vm14 =	vgt.s32 v61, $0x0;
	[tilespmem:$0x184E0] =	vst v60  }
0x9c: {  	v5 =	vnsel vm14, $0x0, v61;
	v3 =	vld.idx.msk [tilespmem:v3+s3+$0x0], $0xffff  }
0x9d: {  	v5 =	vmin.u32 v5, $0x7FFF;
	_ =	sdelay $0x2  }
0x9e: {  	v4 =	vadd.s32 $0xFFFFFFFF, v62  }
0x9f: {  	vm15 =	vgt.s32 v4, $0x0;
	[tilespmem:$0x185E0] =	vst v3  }
0xa0: {  	v3 =	vnsel vm15, $0x0, v4;
	v63 =	vld.idx.msk [tilespmem:v5+s3+$0x0], $0xffff  }
0xa1: {  	v3 =	vmin.u32 v3, $0x7FFF;
	_ =	sdelay $0x3  }
0xa2: {  	[tilespmem:$0x184F0] =	vst v63  }
0xa3: {  	v3 =	vld.idx.msk [tilespmem:v3+s3+$0x0], $0xffff;
	_ =	sdelay $0x4  }
0xa4: {  	[tilespmem:$0x185F0] =	vst v3  }
0xa5: {  	[hbm4b:s7+s3] =	stream.linear.scatter [tilespmem:s14], [sflag:$0x3], $0x100, $0x38;
	[tilespmem:$0x18600] =	vst v63  }
0xa6: {  	_ =	swait.ge [sflag:s11], $0x100  }
0xa7: {  	[sflag:s11] =	ssyncset.done $0x0  }
0xa8: {  	[sflag:s11] =	ssyncadd.s32 $0xFFFFFF00  }
0xa9: {  	[hbm4b:s8+s3] =	stream.linear.scatter [tilespmem:s15], [sflag:$0x3], $0x100, $0x38;
	[tilespmem:$0x18600] =	vst v63  }
0xaa: {  	_ =	swait.ge [sflag:s11], $0x100  }
0xab: {  	[sflag:s11] =	ssyncset.done $0x0  }
0xac: {  	s1 =	simm.s32 $0x200;
	s0 =	simm.s32 $0x0;
	[sflag:s11] =	ssyncadd.s32 $0xFFFFFF00  }
.LBB2_2:
0xad: {  	p0 =	sne.s32 s1, $0x1FE00;
	[tilespmem:s0+$0x10470] =	vst v1  }
0xae: {  	[tilespmem:s0+$0x10400] =	vst v0  }
0xaf: {  	[tilespmem:s0+$0x10410] =	vst v0  }
.Ltmp2:
0xb0: {  	[tilespmem:s0+$0x10420] =	vst v0;
	(pc) =	sbr.rel @p0 .LBB2_2-.Ltmp2, $4  }
0xb1: {  	[tilespmem:s0+$0x10430] =	vst v1  }
0xb2: {  	[tilespmem:s0+$0x10440] =	vst v1  }
0xb3: {  	[tilespmem:s0+$0x10450] =	vst v1  }
0xb4: {  	[tilespmem:s0+$0x10460] =	vst v1;
	s0 =	sshra.s32 s1, $0x2;
	s1 =	sadd.s32 $0x200, s1  }
0xb5: {  	[tilespmem:s0+$0x10470] =	vst v1  }
0xb6: {  	[tilespmem:s0+$0x10400] =	vst v0  }
0xb7: {  	[tilespmem:s0+$0x10410] =	vst v0  }
0xb8: {  	[tilespmem:s0+$0x10420] =	vst v0  }
0xb9: {  	[tilespmem:s0+$0x10430] =	vst v1  }
0xba: {  	[tilespmem:s0+$0x10440] =	vst v1  }
0xbb: {  	[tilespmem:s0+$0x10450] =	vst v1  }
0xbc: {  	[tilespmem:s0+$0x10460] =	vst v1  }
0xbd: {  	v3 =	vld [tilespmem:$0x8100];
	_ =	sdelay $0x4  }
0xbe: {  	(v2sf) =	vpush v3, $0x0;
	_ =	sdelay $0x1  }
0xbf: {  	v3 =	vld [tilespmem:$0x8200];
	_ =	sdelay $0x4  }
0xc0: {  	(v2sf) =	vpush v3, $0x0;
	_ =	sdelay $0x7  }
0xc1: {  	s20 =	spop (v2sf)  }
0xc2: {  	s28 =	sand.u32 $0x7, s20  }
0xc3: {  	s1 =	sshra.s32 s20, $0x1F;
	p0 =	slt.s32 s20, $0x1;
	p1 =	sne.s32 s28, $0x0  }
0xc4: {  	s29 =	sshrl.u32 s1, $0x1D;
	p0 =	por !p0, !p1  }
0xc5: {  	s1 =	simm.s32 $0x1;
	s0 =	sadd.s32 s29, s20;
	p0 =	por !p0, !p0  }
0xc6: {  	s0 =	sshrl.u32 s0, $0x3;
	s1 =	simm.s32 @!p0 $0x0  }
0xc7: {  	s0 =	ssub.s32 s0, s1  }
0xc8: {  	s21 =	spop (v2sf);
	s22 =	sshll.u32 s0, $0x3  }
0xc9: {  	s0 =	ssub.s32 s21, s22  }
0xca: {  	s0 =	sadd.s32 $0x7F, s0  }
0xcb: {  	s30 =	sand.u32 $0x7F, s0  }
0xcc: {  	s2 =	sshra.s32 s0, $0x1F;
	p5 =	slt.s32 s0, $0x1;
	p6 =	sne.s32 s30, $0x0  }
0xcd: {  	s31 =	sshrl.u32 s2, $0x19;
	p0 =	por !p5, !p6  }
0xce: {  	s1 =	simm.s32 $0x1;
	s0 =	sadd.s32 s31, s0;
	p0 =	por !p0, !p0  }
0xcf: {  	s0 =	sshra.s32 s0, $0x7;
	s1 =	simm.s32 @!p0 $0x0  }
0xd0: {  	s23 =	ssub.s32 s0, s1  }
0xd1: {  	p0 =	slt.s32 s23, $0x1  }
0xd2: {  	s0 =	simm.s32 @!p0 $0x80;
	s1 =	simm.s32 @!p0 $0x8400;
	p1 =	seq.s32 @!p0 s23, $0x1  }
0xd3: {  	[tilespmem:s1], [sflag:$0x1] =	stream.indirect.gather @!p0 [hbm4b:s4+s0], $0x80, s22, s0, $0xb8;
	[tilespmem:$0x18600] =	vst v63  }
0xd4: {  	p0 =	por p1, p0  }
0xd5: {  	s0 =	sadd.s32 @!p0 $0x80, s22;
	s1 =	simm.s32 @!p0 $0x80;
	s2 =	simm.s32 @!p0 $0xC400  }
0xd6: {  	[tilespmem:s2], [sflag:$0x2] =	stream.indirect.gather @!p0 [hbm4b:s4+s1], $0x80, s0, s1, $0xb8;
	[tilespmem:$0x18600] =	vst v63  }
0xd7: {  	v3 =	vld [tilespmem:$0x8101];
	_ =	sdelay $0x4  }
0xd8: {  	(v2sf) =	vpush v3, $0x0;
	_ =	sdelay $0xa  }
.Ltmp3:
0xd9: {  	_ = 	snop;
	(pc) =	sbr.rel .LBB2_4-.Ltmp3, $3  }
0xda: {  	_ =	sdelay $0x1  }
0xdb: {  	v4 =	vimm.f32 $0.0e+00;
	v7 =	vimm.f32 $0.0e+00;
	v8 =	vimm.f32 $0.0e+00;
	s26 =	simm.s32 $0x0;
	s24 =	sadd.s32 $0xFFFFFFFF, s23  }
0xdc: {  	v6 =	vimm.f32 $1.000000000e+00;
	v5 =	vimm.f32 $1.000000000e+00;
	s25 =	sadd.s32 $0xFFFFFFFE, s23;
	s1 =	simm.s32 $0x0;
	v3 =	vimm.f32 $1.000000000e+00;
	s0 =	spop (v2sf)  }
.LBB2_38:
0xdd: {  	s2 =	sadd.s32 $0x3, s28  }
0xde: {  	p0 =	sge.s32 s2, s23  }
0xdf: {  	s2 =	sshll.u32 @!p0 s2, $0x7  }
0xe0: {  	s2 =	sand.u32 @!p0 $0x3FFFFF80, s2  }
0xe1: {  	s28 =	simm.s32 @!p0 $0x80;
	s29 =	simm.s32 @!p0 $0xC400;
	s2 =	sadd.s32 @!p0 s2, s22  }
0xe2: {  	[tilespmem:s29], [sflag:$0x2] =	stream.indirect.gather @!p0 [hbm4b:s4+s28], $0x80, s2, s28, $0xb8;
	[tilespmem:$0x18600] =	vst v63  }
.LBB2_39:
0xe3: {  	s26 =	sadd.s32 $0x1, s26  }
0xe4: {  	p0 =	sne.s32 s26, $0x81  }
.Ltmp4:
0xe5: {  	_ = 	snop;
	(pc) =	sbr.rel @!p0 .LBB2_40-.Ltmp4, $1  }
0xe6: {  	_ =	sdelay $0x3  }
.LBB2_4:
0xe7: {  	s28 =	sshll.u32 s26, $0x1  }
0xe8: {  	p0 =	sge.s32 s28, s23  }
.Ltmp5:
0xe9: {  	_ = 	snop;
	(pc) =	sbr.rel @p0 .LBB2_22-.Ltmp5, $1  }
0xea: {  	_ =	sdelay $0x3  }
0xeb: {  	p0 =	seq.s32 s26, $0x0  }
0xec: {  	p1 =	sne.s32 @!p0 s28, s24  }
0xed: {  	p1 =	por p0, !p1  }
.Ltmp6:
0xee: {  	_ = 	snop;
	(pc) =	sbr.rel @!p1 .LBB2_14-.Ltmp6, $4  }
0xef: {  	_ = 	snop  }
0xf0: {  	_ =	swait.ge [sflag:s16], $0x4000  }
0xf1: {  	s2 =	sshll.u32 s26, $0x8;
	[sflag:s16] =	ssyncset.done $0x0  }
0xf2: {  	s31 =	simm.s32 $0x0;
	s30 =	sadd.s32 s22, s2;
	[sflag:s16] =	ssyncadd.s32 $0xFFFFC000  }
.Ltmp7:
0xf3: {  	(pc) =	sbr.rel .LBB2_7-.Ltmp7, $3  }
0xf4: {  	_ =	sdelay $0x1  }
0xf5: {  	v4 =	vpsel p0, v4, v4;
	v7 =	vpsel p0, v7, v7;
	v8 =	vpsel p0, v8, v8  }
0xf6: {  	s0 =	smov.u32 @p0 s0;
	v3 =	vpsel p0, v3, v3;
	v6 =	vpsel p0, v6, v6;
	v5 =	vpsel p0, v5, v5;
	s1 =	smov.u32 @p0 s1;
	s31 =	simm.s32 @p0 $0x0  }
.LBB2_19:
0xf7: {  	v9 =	vld [tilespmem:s2+$0x8101];
	_ =	sdelay $0x4  }
0xf8: {  	(v2sf) =	vpush v9, $0x0;
	_ =	sdelay $0xe  }
0xf9: {  	s1 =	smov.u32 s2;
	s0 =	spop (v2sf)  }
.LBB2_20:
0xfa: {  	s2 =	sshll.u32 s31, $0x7  }
0xfb: {  	s2 =	sand.u32 $0x3FFFFF80, s2  }
0xfc: {  	v9 =	vld [tilespmem:s2+$0x8400]  }
0xfd: {  	v10 =	vld [tilespmem:s2+$0x8410]  }
0xfe: {  	v11 =	vld [tilespmem:s2+$0x8430]  }
0xff: {  	v12 =	vld [tilespmem:s2+$0x8440]  }
0x100: {  	v13 =	vld [tilespmem:s2+$0x8420]  }
0x101: {  	v5 =	vpsel !p0, $0x3F800000, v5;
	v14 =	vld [tilespmem:s2+$0x8450]  }
0x102: {  	v6 =	vpsel !p0, $0x3F800000, v6;
	v8 =	vpsel !p0, $0x0, v8;
	v15 =	vmul.f32 v9, v5  }
0x103: {  	v7 =	vpsel !p0, $0x0, v7;
	v16 =	vmul.f32 v11, v8;
	v17 =	vmul.f32 v10, v6  }
0x104: {  	s31 =	sadd.s32 $0x1, s31;
	v3 =	vpsel !p0, $0x3F800000, v3;
	v18 =	vmul.f32 v12, v7;
	v11 =	vmul.f32 v11, v5  }
0x105: {  	v4 =	vpsel !p0, $0x0, v4;
	p0 =	sne.s32 s31, $0x80;
	v19 =	vmul.f32 v13, v3;
	v8 =	vmul.f32 v9, v8  }
.Ltmp8:
0x106: {  	v9 =	vmul.f32 v14, v4;
	v12 =	vmul.f32 v12, v6;
	(pc) =	sbr.rel @!p0 .LBB2_21-.Ltmp8, $4  }
0x107: {  	v7 =	vmul.f32 v10, v7;
	v10 =	vmul.f32 v14, v3  }
0x108: {  	v4 =	vmul.f32 v13, v4;
	v5 =	vsub.f32 v15, v16;
	v6 =	vsub.f32 v17, v18  }
0x109: {  	v3 =	vsub.f32 v19, v9;
	v8 =	vadd.f32 v11, v8  }
0x10a: {  	v7 =	vadd.f32 v12, v7;
	v4 =	vadd.f32 v10, v4  }
.LBB2_14:
0x10b: {  	s29 =	sadd.s32 s30, s31  }
0x10c: {  	p0 =	sgt.s32 s0, s29  }
.Ltmp9:
0x10d: {  	_ = 	snop;
	(pc) =	sbr.rel @p0 .LBB2_20-.Ltmp9, $1  }
0x10e: {  	_ =	sdelay $0x3  }
0x10f: {  	s0 =	sshll.u32 s1, $0x9  }
0x110: {  	s0 =	sshra.s32 s0, $0x2  }
0x111: {  	[tilespmem:s0+$0x10400] =	vst v5  }
0x112: {  	[tilespmem:s0+$0x10430] =	vst v8  }
0x113: {  	[tilespmem:s0+$0x10410] =	vst v6  }
0x114: {  	[tilespmem:s0+$0x10440] =	vst v7  }
0x115: {  	[tilespmem:s0+$0x10420] =	vst v3  }
0x116: {  	[tilespmem:s0+$0x10450] =	vst v4  }
0x117: {  	v9 =	vld [tilespmem:s1+$0x8101];
	_ =	sdelay $0x4  }
0x118: {  	v9 =	vsub.s32 s29, v9  }
0x119: {  	vm0 =	vlt.u32 v9, $0x7FFFFFFF  }
0x11a: {  	v9 =	vsel vm0, $0x1, v2  }
0x11b: {  	(xrf0) =	vadd.scan.msk.s32 $0xffff, v9;
	_ =	sdelay $0x5  }
0x11c: {  	v9, _, _ =	vpop (xrf0)  }
0x11d: {  	(v2sf) =	vpush v9, $0xF;
	_ =	sdelay $0xe  }
0x11e: {  	s2 =	spop (v2sf)  }
0x11f: {  	s2 =	sadd.s32 s1, s2  }
0x120: {  	p1 =	slt.s32 s2, $0xFF  }
0x121: {  	s2 =	simm.s32 @!p1 $0xFF  }
0x122: {  	s1 =	ssub.s32 s2, s1  }
0x123: {  	p1 =	sne.s32 s1, $0x10  }
.Ltmp10:
0x124: {  	_ = 	snop;
	(pc) =	sbr.rel @p1 .LBB2_19-.Ltmp10, $1  }
0x125: {  	_ =	sdelay $0x3  }
0x126: {  	v9 =	vmov s29;
	v10 =	vld [tilespmem:s2+$0x8101];
	s0 =	simm.s32 $0xE  }
.LBB2_17:
0x127: {  	p1 =	sne.s32 s0, $0x1;
	_ =	sdelay $0x3  }
0x128: {  	v10 =	vsub.s32 v9, v10  }
0x129: {  	vm0 =	vlt.u32 v10, $0x7FFFFFFF  }
0x12a: {  	v10 =	vsel vm0, $0x1, v2  }
0x12b: {  	(xrf0) =	vadd.scan.msk.s32 $0xffff, v10;
	_ =	sdelay $0x5  }
0x12c: {  	v10, _, _ =	vpop (xrf0)  }
0x12d: {  	(v2sf) =	vpush v10, $0xF;
	_ =	sdelay $0xe  }
.Ltmp11:
0x12e: {  	s1 =	spop (v2sf);
	(pc) =	sbr.rel @p1 .LBB2_17-.Ltmp11, $4  }
0x12f: {  	s2 =	sadd.s32 s2, s1  }
0x130: {  	p2 =	slt.s32 s2, $0xFF  }
0x131: {  	s2 =	simm.s32 @!p2 $0xFF  }
0x132: {  	s0 =	sadd.s32 $0xFFFFFFFF, s0;
	v10 =	vld [tilespmem:s2+$0x8101]  }
0x133: {  	_ =	sdelay $0x3  }
0x134: {  	v9 =	vsub.s32 v9, v10  }
0x135: {  	vm0 =	vlt.u32 v9, $0x7FFFFFFF  }
0x136: {  	v9 =	vsel vm0, $0x1, v2  }
0x137: {  	(xrf0) =	vadd.scan.msk.s32 $0xffff, v9;
	_ =	sdelay $0x5  }
0x138: {  	v9, _, _ =	vpop (xrf0)  }
0x139: {  	(v2sf) =	vpush v9, $0xF;
	_ =	sdelay $0xd  }
.Ltmp12:
0x13a: {  	_ = 	snop;
	(pc) =	sbr.rel .LBB2_19-.Ltmp12, $4  }
0x13b: {  	s0 =	spop (v2sf)  }
0x13c: {  	s2 =	sadd.s32 s2, s0  }
0x13d: {  	p1 =	slt.s32 s2, $0xFF  }
0x13e: {  	s2 =	simm.s32 @!p1 $0xFF  }
.LBB2_12:
0x13f: {  	v9 =	vld [tilespmem:s29+$0x8101];
	_ =	sdelay $0x4  }
0x140: {  	(v2sf) =	vpush v9, $0x0;
	_ =	sdelay $0xe  }
0x141: {  	s1 =	smov.u32 s29;
	s0 =	spop (v2sf)  }
.LBB2_13:
0x142: {  	s29 =	sshll.u32 s31, $0x7  }
0x143: {  	s29 =	sand.u32 $0x3FFFFF80, s29  }
0x144: {  	v9 =	vld [tilespmem:s29+$0x8400]  }
0x145: {  	v10 =	vld [tilespmem:s29+$0x8410]  }
0x146: {  	v11 =	vld [tilespmem:s29+$0x8420]  }
0x147: {  	v12 =	vld [tilespmem:s29+$0x8430]  }
0x148: {  	v13 =	vld [tilespmem:s29+$0x8440]  }
0x149: {  	v14 =	vld [tilespmem:s29+$0x8450]  }
0x14a: {  	v5 =	vpsel p0, $0x3F800000, v5;
	v6 =	vpsel p0, $0x3F800000, v6  }
0x14b: {  	v3 =	vpsel p0, $0x3F800000, v3;
	v8 =	vpsel p0, $0x0, v8;
	v15 =	vmul.f32 v9, v5  }
0x14c: {  	v7 =	vpsel p0, $0x0, v7;
	v16 =	vmul.f32 v12, v8;
	v17 =	vmul.f32 v10, v6  }
0x14d: {  	v4 =	vpsel p0, $0x0, v4;
	v18 =	vmul.f32 v13, v7;
	v19 =	vmul.f32 v11, v3  }
0x14e: {  	v20 =	vmul.f32 v14, v4;
	v12 =	vmul.f32 v12, v5  }
0x14f: {  	p6 =	sge.s32 s2, s20;
	p1 =	slt.s32 s2, s21;
	s31 =	sadd.s32 $0x1, s31;
	v9 =	vmul.f32 v9, v8;
	v13 =	vmul.f32 v13, v6  }
0x150: {  	p0 =	por !p6, !p1;
	p1 =	seq.s32 s31, $0x80;
	v10 =	vmul.f32 v10, v7;
	v14 =	vmul.f32 v14, v3  }
.Ltmp13:
0x151: {  	v11 =	vmul.f32 v11, v4;
	v15 =	vsub.f32 v15, v16;
	v62 =	vsub.f32 v17, v18;
	(pc) =	sbr.rel @p1 .LBB2_21-.Ltmp13, $4  }
0x152: {  	v63 =	vsub.f32 v19, v20;
	v9 =	vadd.f32 v12, v9  }
0x153: {  	p0 =	por !p0, !p0;
	v10 =	vadd.f32 v13, v10;
	v11 =	vadd.f32 v14, v11  }
0x154: {  	v5 =	vpsel p0, v15, v5;
	v6 =	vpsel p0, v62, v6;
	v3 =	vpsel p0, v63, v3  }
0x155: {  	v8 =	vpsel p0, v9, v8;
	v7 =	vpsel p0, v10, v7;
	v4 =	vpsel p0, v11, v4  }
.LBB2_7:
0x156: {  	s2 =	sadd.s32 s30, s31  }
0x157: {  	p0 =	sle.s32 s0, s2;
	p1 =	sle.s32 s2, s21  }
0x158: {  	p0 =	por !p1, !p0  }
0x159: {  	p0 =	por !p0, !p0  }
.Ltmp14:
0x15a: {  	_ = 	snop;
	(pc) =	sbr.rel @!p0 .LBB2_13-.Ltmp14, $1  }
0x15b: {  	_ =	sdelay $0x3  }
0x15c: {  	s0 =	sshll.u32 s1, $0x9  }
0x15d: {  	s0 =	sshra.s32 s0, $0x2  }
0x15e: {  	[tilespmem:s0+$0x10400] =	vst v5  }
0x15f: {  	[tilespmem:s0+$0x10430] =	vst v8  }
0x160: {  	[tilespmem:s0+$0x10410] =	vst v6  }
0x161: {  	[tilespmem:s0+$0x10440] =	vst v7  }
0x162: {  	[tilespmem:s0+$0x10420] =	vst v3  }
0x163: {  	[tilespmem:s0+$0x10450] =	vst v4  }
0x164: {  	v9 =	vld [tilespmem:s1+$0x8101];
	_ =	sdelay $0x4  }
0x165: {  	v9 =	vsub.s32 s2, v9  }
0x166: {  	vm0 =	vlt.u32 v9, $0x7FFFFFFF  }
0x167: {  	v9 =	vsel vm0, $0x1, v2  }
0x168: {  	(xrf0) =	vadd.scan.msk.s32 $0xffff, v9;
	_ =	sdelay $0x5  }
0x169: {  	v9, _, _ =	vpop (xrf0)  }
0x16a: {  	(v2sf) =	vpush v9, $0xF;
	_ =	sdelay $0xe  }
0x16b: {  	s0 =	spop (v2sf)  }
0x16c: {  	s29 =	sadd.s32 s1, s0  }
0x16d: {  	p1 =	slt.s32 s29, $0xFF  }
0x16e: {  	s29 =	simm.s32 @!p1 $0xFF  }
0x16f: {  	s1 =	ssub.s32 s29, s1  }
0x170: {  	p1 =	sne.s32 s1, $0x10  }
.Ltmp15:
0x171: {  	_ = 	snop;
	(pc) =	sbr.rel @p1 .LBB2_12-.Ltmp15, $1  }
0x172: {  	_ =	sdelay $0x3  }
0x173: {  	v9 =	vmov s2;
	v10 =	vld [tilespmem:s29+$0x8101];
	s0 =	simm.s32 $0xE  }
.LBB2_10:
0x174: {  	p1 =	sne.s32 s0, $0x1;
	_ =	sdelay $0x3  }
0x175: {  	v10 =	vsub.s32 v9, v10  }
0x176: {  	vm0 =	vlt.u32 v10, $0x7FFFFFFF  }
0x177: {  	v10 =	vsel vm0, $0x1, v2  }
0x178: {  	(xrf0) =	vadd.scan.msk.s32 $0xffff, v10;
	_ =	sdelay $0x5  }
0x179: {  	v10, _, _ =	vpop (xrf0)  }
0x17a: {  	(v2sf) =	vpush v10, $0xF;
	_ =	sdelay $0xe  }
.Ltmp16:
0x17b: {  	s1 =	spop (v2sf);
	(pc) =	sbr.rel @p1 .LBB2_10-.Ltmp16, $4  }
0x17c: {  	s29 =	sadd.s32 s29, s1  }
0x17d: {  	p2 =	slt.s32 s29, $0xFF  }
0x17e: {  	s29 =	simm.s32 @!p2 $0xFF  }
0x17f: {  	s0 =	sadd.s32 $0xFFFFFFFF, s0;
	v10 =	vld [tilespmem:s29+$0x8101]  }
0x180: {  	_ =	sdelay $0x3  }
0x181: {  	v9 =	vsub.s32 v9, v10  }
0x182: {  	vm0 =	vlt.u32 v9, $0x7FFFFFFF  }
0x183: {  	v9 =	vsel vm0, $0x1, v2  }
0x184: {  	(xrf0) =	vadd.scan.msk.s32 $0xffff, v9;
	_ =	sdelay $0x5  }
0x185: {  	v9, _, _ =	vpop (xrf0)  }
0x186: {  	(v2sf) =	vpush v9, $0xF;
	_ =	sdelay $0xd  }
.Ltmp17:
0x187: {  	_ = 	snop;
	(pc) =	sbr.rel .LBB2_12-.Ltmp17, $4  }
0x188: {  	s0 =	spop (v2sf)  }
0x189: {  	s29 =	sadd.s32 s29, s0  }
0x18a: {  	p1 =	slt.s32 s29, $0xFF  }
0x18b: {  	s29 =	simm.s32 @!p1 $0xFF  }
.LBB2_21:
0x18c: {  	s2 =	sadd.s32 $0x2, s28  }
0x18d: {  	p0 =	sge.s32 s2, s23  }
0x18e: {  	s2 =	sshll.u32 @!p0 s2, $0x7  }
0x18f: {  	s2 =	sand.u32 @!p0 $0x3FFFFF80, s2  }
0x190: {  	s29 =	simm.s32 @!p0 $0x80;
	s30 =	simm.s32 @!p0 $0x8400;
	s2 =	sadd.s32 @!p0 s2, s22  }
0x191: {  	[tilespmem:s30], [sflag:$0x1] =	stream.indirect.gather @!p0 [hbm4b:s4+s29], $0x80, s2, s29, $0xb8;
	[tilespmem:$0x18600] =	vst v63  }
.LBB2_22:
0x192: {  	s2 =	sor.u32 $0x1, s28  }
0x193: {  	p0 =	sge.s32 s2, s23  }
.Ltmp18:
0x194: {  	_ = 	snop;
	(pc) =	sbr.rel @p0 .LBB2_39-.Ltmp18, $1  }
0x195: {  	_ =	sdelay $0x3  }
0x196: {  	p0 =	sne.s32 s28, s25  }
.Ltmp19:
0x197: {  	_ = 	snop;
	(pc) =	sbr.rel @p0 .LBB2_31-.Ltmp19, $4  }
.Ltmp20:
0x198: {  	_ = 	snop;
	(pc) =	sbr.rel @!p0 .LBB2_24-.Ltmp20, $4  }
0x199: {  	_ =	swait.ge [sflag:s17], $0x4000  }
0x19a: {  	s2 =	sshll.u32 s2, $0x7;
	[sflag:s17] =	ssyncset.done $0x0  }
0x19b: {  	s31 =	simm.s32 $0x0;
	s30 =	sadd.s32 s22, s2;
	[sflag:s17] =	ssyncadd.s32 $0xFFFFC000  }
0x19c: {  	_ = 	snop  }
.LBB2_29:
0x19d: {  	v9 =	vld [tilespmem:s29+$0x8101];
	_ =	sdelay $0x4  }
0x19e: {  	(v2sf) =	vpush v9, $0x0;
	_ =	sdelay $0xe  }
0x19f: {  	s1 =	smov.u32 s29;
	s0 =	spop (v2sf)  }
.LBB2_30:
0x1a0: {  	s29 =	sshll.u32 s31, $0x7  }
0x1a1: {  	s29 =	sand.u32 $0x3FFFFF80, s29  }
0x1a2: {  	v9 =	vld [tilespmem:s29+$0xC400]  }
0x1a3: {  	v10 =	vld [tilespmem:s29+$0xC410]  }
0x1a4: {  	v11 =	vld [tilespmem:s29+$0xC420]  }
0x1a5: {  	v12 =	vld [tilespmem:s29+$0xC430]  }
0x1a6: {  	v13 =	vld [tilespmem:s29+$0xC440]  }
0x1a7: {  	v14 =	vld [tilespmem:s29+$0xC450]  }
0x1a8: {  	v5 =	vpsel p0, $0x3F800000, v5;
	v6 =	vpsel p0, $0x3F800000, v6  }
0x1a9: {  	v3 =	vpsel p0, $0x3F800000, v3;
	v8 =	vpsel p0, $0x0, v8;
	v15 =	vmul.f32 v9, v5  }
0x1aa: {  	v7 =	vpsel p0, $0x0, v7;
	v16 =	vmul.f32 v12, v8;
	v17 =	vmul.f32 v10, v6  }
0x1ab: {  	v4 =	vpsel p0, $0x0, v4;
	v18 =	vmul.f32 v13, v7;
	v19 =	vmul.f32 v11, v3  }
0x1ac: {  	v20 =	vmul.f32 v14, v4;
	v12 =	vmul.f32 v12, v5  }
0x1ad: {  	p6 =	sge.s32 s2, s20;
	p1 =	slt.s32 s2, s21;
	s31 =	sadd.s32 $0x1, s31;
	v9 =	vmul.f32 v9, v8;
	v13 =	vmul.f32 v13, v6  }
0x1ae: {  	p0 =	por !p6, !p1;
	p1 =	seq.s32 s31, $0x80;
	v10 =	vmul.f32 v10, v7;
	v14 =	vmul.f32 v14, v3  }
.Ltmp21:
0x1af: {  	v11 =	vmul.f32 v11, v4;
	v15 =	vsub.f32 v15, v16;
	v62 =	vsub.f32 v17, v18;
	(pc) =	sbr.rel @p1 .LBB2_38-.Ltmp21, $4  }
0x1b0: {  	v63 =	vsub.f32 v19, v20;
	v9 =	vadd.f32 v12, v9  }
0x1b1: {  	p0 =	por !p0, !p0;
	v10 =	vadd.f32 v13, v10;
	v11 =	vadd.f32 v14, v11  }
0x1b2: {  	v5 =	vpsel p0, v15, v5;
	v6 =	vpsel p0, v62, v6;
	v3 =	vpsel p0, v63, v3  }
0x1b3: {  	v8 =	vpsel p0, v9, v8;
	v7 =	vpsel p0, v10, v7;
	v4 =	vpsel p0, v11, v4  }
.LBB2_24:
0x1b4: {  	s2 =	sadd.s32 s30, s31  }
0x1b5: {  	p0 =	sle.s32 s0, s2;
	p1 =	sle.s32 s2, s21  }
0x1b6: {  	p0 =	por !p1, !p0  }
0x1b7: {  	p0 =	por !p0, !p0  }
.Ltmp22:
0x1b8: {  	_ = 	snop;
	(pc) =	sbr.rel @!p0 .LBB2_30-.Ltmp22, $1  }
0x1b9: {  	_ =	sdelay $0x3  }
0x1ba: {  	s0 =	sshll.u32 s1, $0x9  }
0x1bb: {  	s0 =	sshra.s32 s0, $0x2  }
0x1bc: {  	[tilespmem:s0+$0x10400] =	vst v5  }
0x1bd: {  	[tilespmem:s0+$0x10430] =	vst v8  }
0x1be: {  	[tilespmem:s0+$0x10410] =	vst v6  }
0x1bf: {  	[tilespmem:s0+$0x10440] =	vst v7  }
0x1c0: {  	[tilespmem:s0+$0x10420] =	vst v3  }
0x1c1: {  	[tilespmem:s0+$0x10450] =	vst v4  }
0x1c2: {  	v9 =	vld [tilespmem:s1+$0x8101];
	_ =	sdelay $0x4  }
0x1c3: {  	v9 =	vsub.s32 s2, v9  }
0x1c4: {  	vm0 =	vlt.u32 v9, $0x7FFFFFFF  }
0x1c5: {  	v9 =	vsel vm0, $0x1, v2  }
0x1c6: {  	(xrf0) =	vadd.scan.msk.s32 $0xffff, v9;
	_ =	sdelay $0x5  }
0x1c7: {  	v9, _, _ =	vpop (xrf0)  }
0x1c8: {  	(v2sf) =	vpush v9, $0xF;
	_ =	sdelay $0xe  }
0x1c9: {  	s0 =	spop (v2sf)  }
0x1ca: {  	s29 =	sadd.s32 s1, s0  }
0x1cb: {  	p1 =	slt.s32 s29, $0xFF  }
0x1cc: {  	s29 =	simm.s32 @!p1 $0xFF  }
0x1cd: {  	s1 =	ssub.s32 s29, s1  }
0x1ce: {  	p1 =	sne.s32 s1, $0x10  }
.Ltmp23:
0x1cf: {  	_ = 	snop;
	(pc) =	sbr.rel @p1 .LBB2_29-.Ltmp23, $1  }
0x1d0: {  	_ =	sdelay $0x3  }
0x1d1: {  	v9 =	vmov s2;
	v10 =	vld [tilespmem:s29+$0x8101];
	s0 =	simm.s32 $0xE  }
.LBB2_27:
0x1d2: {  	p1 =	sne.s32 s0, $0x1;
	_ =	sdelay $0x3  }
0x1d3: {  	v10 =	vsub.s32 v9, v10  }
0x1d4: {  	vm0 =	vlt.u32 v10, $0x7FFFFFFF  }
0x1d5: {  	v10 =	vsel vm0, $0x1, v2  }
0x1d6: {  	(xrf0) =	vadd.scan.msk.s32 $0xffff, v10;
	_ =	sdelay $0x5  }
0x1d7: {  	v10, _, _ =	vpop (xrf0)  }
0x1d8: {  	(v2sf) =	vpush v10, $0xF;
	_ =	sdelay $0xe  }
.Ltmp24:
0x1d9: {  	s1 =	spop (v2sf);
	(pc) =	sbr.rel @p1 .LBB2_27-.Ltmp24, $4  }
0x1da: {  	s29 =	sadd.s32 s29, s1  }
0x1db: {  	p2 =	slt.s32 s29, $0xFF  }
0x1dc: {  	s29 =	simm.s32 @!p2 $0xFF  }
0x1dd: {  	s0 =	sadd.s32 $0xFFFFFFFF, s0;
	v10 =	vld [tilespmem:s29+$0x8101]  }
0x1de: {  	_ =	sdelay $0x3  }
0x1df: {  	v9 =	vsub.s32 v9, v10  }
0x1e0: {  	vm0 =	vlt.u32 v9, $0x7FFFFFFF  }
0x1e1: {  	v9 =	vsel vm0, $0x1, v2  }
0x1e2: {  	(xrf0) =	vadd.scan.msk.s32 $0xffff, v9;
	_ =	sdelay $0x5  }
0x1e3: {  	v9, _, _ =	vpop (xrf0)  }
0x1e4: {  	(v2sf) =	vpush v9, $0xF;
	_ =	sdelay $0xd  }
.Ltmp25:
0x1e5: {  	_ = 	snop;
	(pc) =	sbr.rel .LBB2_29-.Ltmp25, $4  }
0x1e6: {  	s0 =	spop (v2sf)  }
0x1e7: {  	s29 =	sadd.s32 s29, s0  }
0x1e8: {  	p1 =	slt.s32 s29, $0xFF  }
0x1e9: {  	s29 =	simm.s32 @!p1 $0xFF  }
.LBB2_36:
0x1ea: {  	v9 =	vld [tilespmem:s2+$0x8101];
	_ =	sdelay $0x4  }
0x1eb: {  	(v2sf) =	vpush v9, $0x0;
	_ =	sdelay $0xe  }
0x1ec: {  	s1 =	smov.u32 s2;
	s0 =	spop (v2sf)  }
.LBB2_37:
0x1ed: {  	s2 =	sshll.u32 s31, $0x7  }
0x1ee: {  	s2 =	sand.u32 $0x3FFFFF80, s2  }
0x1ef: {  	v9 =	vld [tilespmem:s2+$0xC400]  }
0x1f0: {  	v10 =	vld [tilespmem:s2+$0xC410]  }
0x1f1: {  	v11 =	vld [tilespmem:s2+$0xC430]  }
0x1f2: {  	v12 =	vld [tilespmem:s2+$0xC440]  }
0x1f3: {  	v13 =	vld [tilespmem:s2+$0xC420]  }
0x1f4: {  	v5 =	vpsel !p0, $0x3F800000, v5;
	v14 =	vld [tilespmem:s2+$0xC450]  }
0x1f5: {  	v6 =	vpsel !p0, $0x3F800000, v6;
	v8 =	vpsel !p0, $0x0, v8;
	v15 =	vmul.f32 v9, v5  }
0x1f6: {  	v7 =	vpsel !p0, $0x0, v7;
	v16 =	vmul.f32 v11, v8;
	v17 =	vmul.f32 v10, v6  }
0x1f7: {  	s31 =	sadd.s32 $0x1, s31;
	v3 =	vpsel !p0, $0x3F800000, v3;
	v18 =	vmul.f32 v12, v7;
	v11 =	vmul.f32 v11, v5  }
0x1f8: {  	v4 =	vpsel !p0, $0x0, v4;
	p0 =	sne.s32 s31, $0x80;
	v19 =	vmul.f32 v13, v3;
	v8 =	vmul.f32 v9, v8  }
.Ltmp26:
0x1f9: {  	v9 =	vmul.f32 v14, v4;
	v12 =	vmul.f32 v12, v6;
	(pc) =	sbr.rel @!p0 .LBB2_38-.Ltmp26, $4  }
0x1fa: {  	v7 =	vmul.f32 v10, v7;
	v10 =	vmul.f32 v14, v3  }
0x1fb: {  	v4 =	vmul.f32 v13, v4;
	v5 =	vsub.f32 v15, v16;
	v6 =	vsub.f32 v17, v18  }
0x1fc: {  	v3 =	vsub.f32 v19, v9;
	v8 =	vadd.f32 v11, v8  }
0x1fd: {  	v7 =	vadd.f32 v12, v7;
	v4 =	vadd.f32 v10, v4  }
.LBB2_31:
0x1fe: {  	s29 =	sadd.s32 s30, s31  }
0x1ff: {  	p0 =	sgt.s32 s0, s29  }
.Ltmp27:
0x200: {  	_ = 	snop;
	(pc) =	sbr.rel @p0 .LBB2_37-.Ltmp27, $1  }
0x201: {  	_ =	sdelay $0x3  }
0x202: {  	s0 =	sshll.u32 s1, $0x9  }
0x203: {  	s0 =	sshra.s32 s0, $0x2  }
0x204: {  	[tilespmem:s0+$0x10400] =	vst v5  }
0x205: {  	[tilespmem:s0+$0x10430] =	vst v8  }
0x206: {  	[tilespmem:s0+$0x10410] =	vst v6  }
0x207: {  	[tilespmem:s0+$0x10440] =	vst v7  }
0x208: {  	[tilespmem:s0+$0x10420] =	vst v3  }
0x209: {  	[tilespmem:s0+$0x10450] =	vst v4  }
0x20a: {  	v9 =	vld [tilespmem:s1+$0x8101];
	_ =	sdelay $0x4  }
0x20b: {  	v9 =	vsub.s32 s29, v9  }
0x20c: {  	vm0 =	vlt.u32 v9, $0x7FFFFFFF  }
0x20d: {  	v9 =	vsel vm0, $0x1, v2  }
0x20e: {  	(xrf0) =	vadd.scan.msk.s32 $0xffff, v9;
	_ =	sdelay $0x5  }
0x20f: {  	v9, _, _ =	vpop (xrf0)  }
0x210: {  	(v2sf) =	vpush v9, $0xF;
	_ =	sdelay $0xe  }
0x211: {  	s2 =	spop (v2sf)  }
0x212: {  	s2 =	sadd.s32 s1, s2  }
0x213: {  	p1 =	slt.s32 s2, $0xFF  }
0x214: {  	s2 =	simm.s32 @!p1 $0xFF  }
0x215: {  	s1 =	ssub.s32 s2, s1  }
0x216: {  	p1 =	sne.s32 s1, $0x10  }
.Ltmp28:
0x217: {  	_ = 	snop;
	(pc) =	sbr.rel @p1 .LBB2_36-.Ltmp28, $1  }
0x218: {  	_ =	sdelay $0x3  }
0x219: {  	v9 =	vmov s29;
	v10 =	vld [tilespmem:s2+$0x8101];
	s0 =	simm.s32 $0xE  }
.LBB2_34:
0x21a: {  	p1 =	sne.s32 s0, $0x1;
	_ =	sdelay $0x3  }
0x21b: {  	v10 =	vsub.s32 v9, v10  }
0x21c: {  	vm0 =	vlt.u32 v10, $0x7FFFFFFF  }
0x21d: {  	v10 =	vsel vm0, $0x1, v2  }
0x21e: {  	(xrf0) =	vadd.scan.msk.s32 $0xffff, v10;
	_ =	sdelay $0x5  }
0x21f: {  	v10, _, _ =	vpop (xrf0)  }
0x220: {  	(v2sf) =	vpush v10, $0xF;
	_ =	sdelay $0xe  }
.Ltmp29:
0x221: {  	s1 =	spop (v2sf);
	(pc) =	sbr.rel @p1 .LBB2_34-.Ltmp29, $4  }
0x222: {  	s2 =	sadd.s32 s2, s1  }
0x223: {  	p2 =	slt.s32 s2, $0xFF  }
0x224: {  	s2 =	simm.s32 @!p2 $0xFF  }
0x225: {  	s0 =	sadd.s32 $0xFFFFFFFF, s0;
	v10 =	vld [tilespmem:s2+$0x8101]  }
0x226: {  	_ =	sdelay $0x3  }
0x227: {  	v9 =	vsub.s32 v9, v10  }
0x228: {  	vm0 =	vlt.u32 v9, $0x7FFFFFFF  }
0x229: {  	v9 =	vsel vm0, $0x1, v2  }
0x22a: {  	(xrf0) =	vadd.scan.msk.s32 $0xffff, v9;
	_ =	sdelay $0x5  }
0x22b: {  	v9, _, _ =	vpop (xrf0)  }
0x22c: {  	(v2sf) =	vpush v9, $0xF;
	_ =	sdelay $0xd  }
.Ltmp30:
0x22d: {  	_ = 	snop;
	(pc) =	sbr.rel .LBB2_36-.Ltmp30, $4  }
0x22e: {  	s0 =	spop (v2sf)  }
0x22f: {  	s2 =	sadd.s32 s2, s0  }
0x230: {  	p1 =	slt.s32 s2, $0xFF  }
0x231: {  	s2 =	simm.s32 @!p1 $0xFF  }
.LBB2_41:
0x232: {  	_ =	sfence.sel $0x180000  }
0x233: {  	[bflag:$0x0] =	sbarrier.arrive $0xFFFF  }
0x234: {  	_ =	strace $0x90000047  }
0x235: {  	s0 =	stileid.u32;
	[bflag:$0x2] =	sbarrier.arrive $0xFFFF  }
0x236: {  	p0 =	sne.s32 s0, $0x0;
	s0 =	rddreg [dreg:$0x2]  }
0x237: {  	s0 =	sadd.s32 @!p0 $0x100000, s0  }
0x238: {  	[sflag:s0] =	ssyncadd.tile.s32 @!p0 $0x1;
	_ =	shalt  }
.Lfunc_end2:
_tile_overlayer_lowered:
.L_overlay_start_2:
0x239: {  	(tag) =	ssettag $0x2  }
0x23a: {  	s0 =	rddreg [dreg:$0x0];
	s2 =	stileid.u32  }
0x23b: {  	s1 =	rddreg [dreg:$0x1];
	p0 =	sne.s32 s2, $0x0  }
0x23c: {  	s3 =	rddreg [dreg:$0x2];
	[bflag:$0x3] =	sbarrier.arrive $0xFFFF;
	s2 =	simm.s32 @!p0 $0x1C03  }
0x23d: {  	[timem:s3], [sflag:s2] =	dma.local @!p0 [hbm:s0], s1  }
0x23e: {  	s0 =	simm.s32 @!p0 $0x3  }
0x23f: {  	_ =	swait.ge @!p0 [sflag:s0], s1  }
0x240: {  	s1 =	ssub.s32 @!p0 $0x0, s1;
	[sflag:s0] =	ssyncset.done @!p0 $0x0  }
0x241: {  	[sflag:s0] =	ssyncadd.s32 @!p0 s1  }
0x242: {  	[bflag:$0x3] =	sbarrier.arrive $0xFFFF  }
0x243: {  	_ =	shalt  }

</sc_bundles>
